<compile_context>
chip_gen: v7x
topology: tpu7x:2x2x1
jax: 0.10.2.dev20260603
libtpu: 0.0.44.dev20260713+nightly
codegen_flags: <defaults>
</compile_context>

<pallas_src>
import functools

import jax
import jax.numpy as jnp
from jax import lax
from jax.experimental import pallas as pl
from jax.experimental.pallas import tpu as pltpu
from jax.experimental.pallas import tpu_sc as plsc

_B = 16384
_C = 250
_NC = 2
_NS = 16
_NW = _NC * _NS
_RW = _B // _NW
_RB = 128
_NCH = _RW // _RB
_L = 16


def _mix_body(y_hbm, perm_hbm, c_hbm, out_hbm,
              y_v, p_v, c_v, buf0, buf1,
              sem_y, sem_p, sem_c, sem0, sem1):
    wid = lax.axis_index("s") * _NC + lax.axis_index("c")
    base = wid * _RW

    cp_y = pltpu.async_copy(y_hbm, y_v, sem_y)
    cp_p = pltpu.async_copy(perm_hbm.at[pl.ds(base, _RW)], p_v, sem_p)
    cp_c = pltpu.async_copy(c_hbm.at[pl.ds(base, _RW)], c_v, sem_c)

    zero16 = jnp.zeros((_L,), jnp.float32)
    iota = lax.iota(jnp.int32, _L)
    tail_mask = iota < jnp.int32(_C % _L)

    def _zero_fill(buf):
        def zrow(r, carry):
            for j in range(_C // _L):
                buf[r, pl.ds(j * _L, _L)] = zero16
            rvec = jnp.zeros((_L,), jnp.int32) + r
            plsc.store_scatter(buf, [rvec, (_C // _L) * _L + iota], zero16,
                               mask=tail_mask)
            return carry
        lax.fori_loop(0, _RB, zrow, 0)

    def _rows(ck, g):
        roff = ck * _RB + g * _L
        yv = y_v[pl.ds(base + roff, _L)]
        pv = p_v[pl.ds(roff, _L)]
        yp = plsc.load_gather(y_v, [pv])
        rvec = g * _L + iota
        return roff, rvec, yv, yp

    def _scatter_chunk(buf, ck):
        def grp(g, carry):
            roff, rvec, yv, yp = _rows(ck, g)
            cv = c_v[pl.ds(roff, _L)]
            plsc.store_scatter(buf, [rvec, yv], cv)
            plsc.addupdate_scatter(buf, [rvec, yp], 1.0 - cv)
            return carry
        lax.fori_loop(0, _RB // _L, grp, 0)

    def _zero_chunk(buf, ck):
        def zgrp(g, carry):
            _, rvec, yv, yp = _rows(ck, g)
            plsc.store_scatter(buf, [rvec, yv], zero16)
            plsc.store_scatter(buf, [rvec, yp], zero16)
            return carry
        lax.fori_loop(0, _RB // _L, zgrp, 0)

    bufs = (buf0, buf1)
    sems = (sem0, sem1)

    def _out_slice(ck):
        return out_hbm.at[pl.ds(base + ck * _RB, _RB)]

    _zero_fill(buf0)
    cp_y.wait()
    cp_p.wait()
    cp_c.wait()
    _scatter_chunk(buf0, 0)
    pltpu.async_copy(buf0, _out_slice(0), sem0)

    _zero_fill(buf1)
    _scatter_chunk(buf1, 1)
    pltpu.async_copy(buf1, _out_slice(1), sem1)

    def pair(p, carry):
        ck0 = 2 + p * 2
        for b in range(2):
            ck = ck0 + b
            pltpu.make_async_copy(bufs[b], _out_slice(ck - 2), sems[b]).wait()
            _zero_chunk(bufs[b], ck - 2)
            _scatter_chunk(bufs[b], ck)
            pltpu.async_copy(bufs[b], _out_slice(ck), sems[b])
        return carry

    lax.fori_loop(0, (_NCH - 2) // 2, pair, 0)

    for ck in (_NCH - 2, _NCH - 1):
        b = ck % 2
        pltpu.make_async_copy(bufs[b], _out_slice(ck), sems[b]).wait()


@functools.partial(jax.jit)
def kernel(y, perm, coeffs):
    mesh = plsc.VectorSubcoreMesh(core_axis_name="c", subcore_axis_name="s")
    mix = pl.kernel(
        _mix_body,
        mesh=mesh,
        out_type=jax.ShapeDtypeStruct((_B, _C), jnp.float32),
        compiler_params=pltpu.CompilerParams(needs_layout_passes=False),
        scratch_types=[
            pltpu.VMEM((_B,), jnp.int32),
            pltpu.VMEM((_RW,), jnp.int32),
            pltpu.VMEM((_RW,), jnp.float32),
            pltpu.VMEM((_RB, _C), jnp.float32),
            pltpu.VMEM((_RB, _C), jnp.float32),
            pltpu.SemaphoreType.DMA,
            pltpu.SemaphoreType.DMA,
            pltpu.SemaphoreType.DMA,
            pltpu.SemaphoreType.DMA,
            pltpu.SemaphoreType.DMA,
        ],
    )
    y_mixed = mix(y.astype(jnp.int32), perm.astype(jnp.int32), coeffs)
    return (perm, coeffs, y_mixed)

# --- scband reference (transcript-rebuilt; emitter-appended) ---
"""Pipeline reference for scband-mixup-16449724743796 (READ-ONLY COPY).

The authoritative reference and input builder live on the scoring server;
editing this copy changes nothing except your own understanding.
"""

import jax, jax.numpy as jnp
import numpy as np

NUM_CLASSES = 250
BATCH = 16384
ALPHA = 0.4


def setup_inputs(seed: int = 0) -> dict:
    key = jax.random.key(seed)
    k_y, k_perm, k_beta = jax.random.split(key, 3)
    y = jax.random.randint(k_y, (BATCH,), 0, NUM_CLASSES, dtype=jnp.int32)
    # torch.randperm(bs) -> fixed permutation (randomness materialized here for determinism)
    perm = jax.random.permutation(k_perm, BATCH)
    # Beta(alpha, alpha).rsample((bs,))
    coeffs = jax.random.beta(k_beta, ALPHA, ALPHA, (BATCH,), dtype=jnp.float32)
    return {"y": y, "perm": perm, "coeffs": coeffs}


def reference(y, perm, coeffs):
    bs = y.shape[0]
    # scatter one-hot: zeros(bs, num_classes).scatter(1, y.view(-1,1), 1)
    onehot = jnp.zeros((bs, NUM_CLASSES), dtype=jnp.float32).at[jnp.arange(bs), y].set(1.0)
    c = coeffs.reshape(-1, 1)
    # mix with permuted batch: gather rows by perm
    y_mixed = c * onehot + (1.0 - c) * jnp.take(onehot, perm, axis=0)
    return (perm, coeffs, y_mixed)

if __name__ == "__main__":
    import jax
    _d = setup_inputs()
    print(jax.jit(kernel)(*tuple(_d.values())))

</pallas_src>

<mosaic_0001>
#map = affine_map<(d0, d1) -> (0)>
#map1 = affine_map<(d0, d1) -> (0, 0)>
module attributes {stable_mosaic.version = 14 : i64} {
  func.func @_mix_body(%arg0: i32, %arg1: i32, %arg2: memref<16384xi32, #tpu.memory_space<hbm>>, %arg3: memref<16384xi32, #tpu.memory_space<hbm>>, %arg4: memref<16384xf32, #tpu.memory_space<hbm>>, %arg5: memref<16384x250xf32, #tpu.memory_space<hbm>>, %arg6: memref<16384xi32, #tpu.memory_space<vmem>>, %arg7: memref<512xi32, #tpu.memory_space<vmem>>, %arg8: memref<512xf32, #tpu.memory_space<vmem>>, %arg9: memref<128x250xf32, #tpu.memory_space<vmem>>, %arg10: memref<128x250xf32, #tpu.memory_space<vmem>>, %arg11: memref<!tpu.dma_semaphore, #tpu.memory_space<semaphore_mem>>, %arg12: memref<!tpu.dma_semaphore, #tpu.memory_space<semaphore_mem>>, %arg13: memref<!tpu.dma_semaphore, #tpu.memory_space<semaphore_mem>>, %arg14: memref<!tpu.dma_semaphore, #tpu.memory_space<semaphore_mem>>, %arg15: memref<!tpu.dma_semaphore, #tpu.memory_space<semaphore_mem>>) attributes {dimension_semantics = [#tpu.dimension_semantics<core_parallel>, #tpu.dimension_semantics<subcore_parallel>], iteration_bounds = array<i64: 2, 16>, scalar_prefetch = 0 : i64, scratch_operands = 10 : i64, tpu.core_type = #tpu.core_type<sc_vector_subcore>, window_params = [{transform_indices = #map}, {transform_indices = #map}, {transform_indices = #map}, {transform_indices = #map1}]} {
    %mul3A = arith.constant 2 : i32
    %mul3A_0 = arith.muli %arg1, %mul3A : i32
    %add3A = arith.addi %mul3A_0, %arg0 : i32
    %mul3A_1 = arith.constant 512 : i32
    %mul3A_2 = arith.muli %add3A, %mul3A_1 : i32
    tpu.enqueue_dma source(%arg2 : memref<16384xi32, #tpu.memory_space<hbm>>) target(%arg6 : memref<16384xi32, #tpu.memory_space<vmem>>) target_semaphore(%arg11 : memref<!tpu.dma_semaphore, #tpu.memory_space<semaphore_mem>>)
    %dma_start3A = tpu.memref_slice %arg3[%mul3A_2] : memref<16384xi32, #tpu.memory_space<hbm>> -> memref<512xi32, #tpu.memory_space<hbm>>
    %dma_start3A_3 = tpu.memref_slice %arg3[%mul3A_2] : memref<16384xi32, #tpu.memory_space<hbm>> -> memref<512xi32, #tpu.memory_space<hbm>>
    tpu.enqueue_dma source(%dma_start3A_3 : memref<512xi32, #tpu.memory_space<hbm>>) target(%arg7 : memref<512xi32, #tpu.memory_space<vmem>>) target_semaphore(%arg12 : memref<!tpu.dma_semaphore, #tpu.memory_space<semaphore_mem>>)
    %dma_start3A_4 = tpu.memref_slice %arg4[%mul3A_2] : memref<16384xf32, #tpu.memory_space<hbm>> -> memref<512xf32, #tpu.memory_space<hbm>>
    %dma_start3A_5 = tpu.memref_slice %arg4[%mul3A_2] : memref<16384xf32, #tpu.memory_space<hbm>> -> memref<512xf32, #tpu.memory_space<hbm>>
    tpu.enqueue_dma source(%dma_start3A_5 : memref<512xf32, #tpu.memory_space<hbm>>) target(%arg8 : memref<512xf32, #tpu.memory_space<vmem>>) target_semaphore(%arg13 : memref<!tpu.dma_semaphore, #tpu.memory_space<semaphore_mem>>)
    %broadcast_in_dim3A = arith.constant 0.000000e+00 : f32
    %broadcast_in_dim3A_6 = vector.broadcast %broadcast_in_dim3A : f32 to vector<16xf32>
    %iota3A = tpu.iota {dimensions = array<i32: 0>} : vector<16xi32>
    %lt3A = arith.constant 10 : i32
    %lt3A_7 = vector.broadcast %lt3A : i32 to vector<16xi32>
    %lt3A_8 = arith.cmpi slt, %iota3A, %lt3A_7 : vector<16xi32>
    %scan3A = arith.constant 0 : i32
    %scan3A_9 = arith.constant 0 : i32
    %scan3A_10 = arith.constant 128 : i32
    %scan3A_11 = arith.addi %scan3A_9, %scan3A_10 : i32
    %scan3A_12 = arith.constant 1 : i32
    scf.for %scan3A_129 = %scan3A_9 to %scan3A_11 step %scan3A_12  : i32 {
      %swap3A = arith.index_cast %scan3A_129 : i32 to index
      %swap3A_130 = arith.constant 0 : index
      %swap3A_131 = tpu.vector_load %arg9[%swap3A, %swap3A_130] {strides = array<i32>} : memref<128x250xf32, #tpu.memory_space<vmem>>, vector<16xf32>,
      tpu.vector_store %arg9[%swap3A, %swap3A_130], %broadcast_in_dim3A_6 {strides = array<i32>} : memref<128x250xf32, #tpu.memory_space<vmem>>, vector<16xf32>,
      %swap3A_132 = arith.index_cast %scan3A_129 : i32 to index
      %swap3A_133 = arith.constant 16 : index
      %swap3A_134 = tpu.vector_load %arg9[%swap3A_132, %swap3A_133] {strides = array<i32>} : memref<128x250xf32, #tpu.memory_space<vmem>>, vector<16xf32>,
      tpu.vector_store %arg9[%swap3A_132, %swap3A_133], %broadcast_in_dim3A_6 {strides = array<i32>} : memref<128x250xf32, #tpu.memory_space<vmem>>, vector<16xf32>,
      %swap3A_135 = arith.index_cast %scan3A_129 : i32 to index
      %swap3A_136 = arith.constant 32 : index
      %swap3A_137 = tpu.vector_load %arg9[%swap3A_135, %swap3A_136] {strides = array<i32>} : memref<128x250xf32, #tpu.memory_space<vmem>>, vector<16xf32>,
      tpu.vector_store %arg9[%swap3A_135, %swap3A_136], %broadcast_in_dim3A_6 {strides = array<i32>} : memref<128x250xf32, #tpu.memory_space<vmem>>, vector<16xf32>,
      %swap3A_138 = arith.index_cast %scan3A_129 : i32 to index
      %swap3A_139 = arith.constant 48 : index
      %swap3A_140 = tpu.vector_load %arg9[%swap3A_138, %swap3A_139] {strides = array<i32>} : memref<128x250xf32, #tpu.memory_space<vmem>>, vector<16xf32>,
      tpu.vector_store %arg9[%swap3A_138, %swap3A_139], %broadcast_in_dim3A_6 {strides = array<i32>} : memref<128x250xf32, #tpu.memory_space<vmem>>, vector<16xf32>,
      %swap3A_141 = arith.index_cast %scan3A_129 : i32 to index
      %swap3A_142 = arith.constant 64 : index
      %swap3A_143 = tpu.vector_load %arg9[%swap3A_141, %swap3A_142] {strides = array<i32>} : memref<128x250xf32, #tpu.memory_space<vmem>>, vector<16xf32>,
      tpu.vector_store %arg9[%swap3A_141, %swap3A_142], %broadcast_in_dim3A_6 {strides = array<i32>} : memref<128x250xf32, #tpu.memory_space<vmem>>, vector<16xf32>,
      %swap3A_144 = arith.index_cast %scan3A_129 : i32 to index
      %swap3A_145 = arith.constant 80 : index
      %swap3A_146 = tpu.vector_load %arg9[%swap3A_144, %swap3A_145] {strides = array<i32>} : memref<128x250xf32, #tpu.memory_space<vmem>>, vector<16xf32>,
      tpu.vector_store %arg9[%swap3A_144, %swap3A_145], %broadcast_in_dim3A_6 {strides = array<i32>} : memref<128x250xf32, #tpu.memory_space<vmem>>, vector<16xf32>,
      %swap3A_147 = arith.index_cast %scan3A_129 : i32 to index
      %swap3A_148 = arith.constant 96 : index
      %swap3A_149 = tpu.vector_load %arg9[%swap3A_147, %swap3A_148] {strides = array<i32>} : memref<128x250xf32, #tpu.memory_space<vmem>>, vector<16xf32>,
      tpu.vector_store %arg9[%swap3A_147, %swap3A_148], %broadcast_in_dim3A_6 {strides = array<i32>} : memref<128x250xf32, #tpu.memory_space<vmem>>, vector<16xf32>,
      %swap3A_150 = arith.index_cast %scan3A_129 : i32 to index
      %swap3A_151 = arith.constant 112 : index
      %swap3A_152 = tpu.vector_load %arg9[%swap3A_150, %swap3A_151] {strides = array<i32>} : memref<128x250xf32, #tpu.memory_space<vmem>>, vector<16xf32>,
      tpu.vector_store %arg9[%swap3A_150, %swap3A_151], %broadcast_in_dim3A_6 {strides = array<i32>} : memref<128x250xf32, #tpu.memory_space<vmem>>, vector<16xf32>,
      %swap3A_153 = arith.index_cast %scan3A_129 : i32 to index
      %swap3A_154 = arith.constant 128 : index
      %swap3A_155 = tpu.vector_load %arg9[%swap3A_153, %swap3A_154] {strides = array<i32>} : memref<128x250xf32, #tpu.memory_space<vmem>>, vector<16xf32>,
      tpu.vector_store %arg9[%swap3A_153, %swap3A_154], %broadcast_in_dim3A_6 {strides = array<i32>} : memref<128x250xf32, #tpu.memory_space<vmem>>, vector<16xf32>,
      %swap3A_156 = arith.index_cast %scan3A_129 : i32 to index
      %swap3A_157 = arith.constant 144 : index
      %swap3A_158 = tpu.vector_load %arg9[%swap3A_156, %swap3A_157] {strides = array<i32>} : memref<128x250xf32, #tpu.memory_space<vmem>>, vector<16xf32>,
      tpu.vector_store %arg9[%swap3A_156, %swap3A_157], %broadcast_in_dim3A_6 {strides = array<i32>} : memref<128x250xf32, #tpu.memory_space<vmem>>, vector<16xf32>,
      %swap3A_159 = arith.index_cast %scan3A_129 : i32 to index
      %swap3A_160 = arith.constant 160 : index
      %swap3A_161 = tpu.vector_load %arg9[%swap3A_159, %swap3A_160] {strides = array<i32>} : memref<128x250xf32, #tpu.memory_space<vmem>>, vector<16xf32>,
      tpu.vector_store %arg9[%swap3A_159, %swap3A_160], %broadcast_in_dim3A_6 {strides = array<i32>} : memref<128x250xf32, #tpu.memory_space<vmem>>, vector<16xf32>,
      %swap3A_162 = arith.index_cast %scan3A_129 : i32 to index
      %swap3A_163 = arith.constant 176 : index
      %swap3A_164 = tpu.vector_load %arg9[%swap3A_162, %swap3A_163] {strides = array<i32>} : memref<128x250xf32, #tpu.memory_space<vmem>>, vector<16xf32>,
      tpu.vector_store %arg9[%swap3A_162, %swap3A_163], %broadcast_in_dim3A_6 {strides = array<i32>} : memref<128x250xf32, #tpu.memory_space<vmem>>, vector<16xf32>,
      %swap3A_165 = arith.index_cast %scan3A_129 : i32 to index
      %swap3A_166 = arith.constant 192 : index
      %swap3A_167 = tpu.vector_load %arg9[%swap3A_165, %swap3A_166] {strides = array<i32>} : memref<128x250xf32, #tpu.memory_space<vmem>>, vector<16xf32>,
      tpu.vector_store %arg9[%swap3A_165, %swap3A_166], %broadcast_in_dim3A_6 {strides = array<i32>} : memref<128x250xf32, #tpu.memory_space<vmem>>, vector<16xf32>,
      %swap3A_168 = arith.index_cast %scan3A_129 : i32 to index
      %swap3A_169 = arith.constant 208 : index
      %swap3A_170 = tpu.vector_load %arg9[%swap3A_168, %swap3A_169] {strides = array<i32>} : memref<128x250xf32, #tpu.memory_space<vmem>>, vector<16xf32>,
      tpu.vector_store %arg9[%swap3A_168, %swap3A_169], %broadcast_in_dim3A_6 {strides = array<i32>} : memref<128x250xf32, #tpu.memory_space<vmem>>, vector<16xf32>,
      %swap3A_171 = arith.index_cast %scan3A_129 : i32 to index
      %swap3A_172 = arith.constant 224 : index
      %swap3A_173 = tpu.vector_load %arg9[%swap3A_171, %swap3A_172] {strides = array<i32>} : memref<128x250xf32, #tpu.memory_space<vmem>>, vector<16xf32>,
      tpu.vector_store %arg9[%swap3A_171, %swap3A_172], %broadcast_in_dim3A_6 {strides = array<i32>} : memref<128x250xf32, #tpu.memory_space<vmem>>, vector<16xf32>,
      %broadcast_in_dim3A_174 = arith.constant 0 : i32
      %broadcast_in_dim3A_175 = vector.broadcast %broadcast_in_dim3A_174 : i32 to vector<16xi32>
      %add3A_176 = vector.broadcast %scan3A_129 : i32 to vector<16xi32>
      %add3A_177 = arith.addi %broadcast_in_dim3A_175, %add3A_176 : vector<16xi32>
      %add3A_178 = arith.constant 240 : i32
      %add3A_179 = vector.broadcast %add3A_178 : i32 to vector<16xi32>
      %add3A_180 = arith.addi %add3A_179, %iota3A : vector<16xi32>
      tpu.vector_store_idx %arg9[%add3A_177, %add3A_180], %broadcast_in_dim3A_6 masked %lt3A_8 : memref<128x250xf32, #tpu.memory_space<vmem>>[vector<16xi32>, vector<16xi32>], vector<16xf32>, vector<16xi1>
    }
    %scan3A_13 = arith.constant 128 : i32
    tpu.wait_dma2 semaphore(%arg11 : memref<!tpu.dma_semaphore, #tpu.memory_space<semaphore_mem>>) src(%arg2 : memref<16384xi32, #tpu.memory_space<hbm>>) dst(%arg6 : memref<16384xi32, #tpu.memory_space<vmem>>)
    %dma_wait3A = tpu.memref_slice %arg3[%mul3A_2] : memref<16384xi32, #tpu.memory_space<hbm>> -> memref<512xi32, #tpu.memory_space<hbm>>
    %dma_wait3A_14 = tpu.memref_slice %arg3[%mul3A_2] : memref<16384xi32, #tpu.memory_space<hbm>> -> memref<512xi32, #tpu.memory_space<hbm>>
    tpu.wait_dma2 semaphore(%arg12 : memref<!tpu.dma_semaphore, #tpu.memory_space<semaphore_mem>>) src(%dma_wait3A_14 : memref<512xi32, #tpu.memory_space<hbm>>) dst(%arg7 : memref<512xi32, #tpu.memory_space<vmem>>)
    %dma_wait3A_15 = tpu.memref_slice %arg4[%mul3A_2] : memref<16384xf32, #tpu.memory_space<hbm>> -> memref<512xf32, #tpu.memory_space<hbm>>
    %dma_wait3A_16 = tpu.memref_slice %arg4[%mul3A_2] : memref<16384xf32, #tpu.memory_space<hbm>> -> memref<512xf32, #tpu.memory_space<hbm>>
    tpu.wait_dma2 semaphore(%arg13 : memref<!tpu.dma_semaphore, #tpu.memory_space<semaphore_mem>>) src(%dma_wait3A_16 : memref<512xf32, #tpu.memory_space<hbm>>) dst(%arg8 : memref<512xf32, #tpu.memory_space<vmem>>)
    %scan3A_17 = arith.constant 0 : i32
    %scan3A_18 = arith.constant 0 : i32
    %scan3A_19 = arith.constant 8 : i32
    %scan3A_20 = arith.addi %scan3A_18, %scan3A_19 : i32
    %scan3A_21 = arith.constant 1 : i32
    scf.for %scan3A_129 = %scan3A_18 to %scan3A_20 step %scan3A_21  : i32 {
      %mul3A_130 = arith.constant 16 : i32
      %mul3A_131 = arith.muli %scan3A_129, %mul3A_130 : i32
      %add3A_132 = arith.constant 0 : i32
      %add3A_133 = arith.addi %add3A_132, %mul3A_131 : i32
      %add3A_134 = arith.addi %mul3A_2, %add3A_133 : i32
      %get3A = arith.index_cast %add3A_134 : i32 to index
      %get3A_135 = tpu.vector_load %arg6[%get3A] {strides = array<i32>} : memref<16384xi32, #tpu.memory_space<vmem>>, vector<16xi32>,
      %get3A_136 = arith.index_cast %add3A_133 : i32 to index
      %get3A_137 = tpu.vector_load %arg7[%get3A_136] {strides = array<i32>} : memref<512xi32, #tpu.memory_space<vmem>>, vector<16xi32>,
      %gather3A = tpu.vector_load_idx %arg6[%get3A_137] : memref<16384xi32, #tpu.memory_space<vmem>>[vector<16xi32>], vector<16xi32>,
      %mul3A_138 = arith.constant 16 : i32
      %mul3A_139 = arith.muli %scan3A_129, %mul3A_138 : i32
      %add3A_140 = vector.broadcast %mul3A_139 : i32 to vector<16xi32>
      %add3A_141 = arith.addi %add3A_140, %iota3A : vector<16xi32>
      %get3A_142 = arith.index_cast %add3A_133 : i32 to index
      %get3A_143 = tpu.vector_load %arg8[%get3A_142] {strides = array<i32>} : memref<512xf32, #tpu.memory_space<vmem>>, vector<16xf32>,
      tpu.vector_store_idx %arg9[%add3A_141, %get3A_135], %get3A_143 : memref<128x250xf32, #tpu.memory_space<vmem>>[vector<16xi32>, vector<16xi32>], vector<16xf32>,
      %sub3A_144 = arith.constant 1.000000e+00 : f32
      %sub3A_145 = vector.broadcast %sub3A_144 : f32 to vector<16xf32>
      %sub3A_146 = arith.subf %sub3A_145, %get3A_143 : vector<16xf32>
      tpu.vector_store_idx %arg9[%add3A_141, %gather3A], %sub3A_146 {add = true} : memref<128x250xf32, #tpu.memory_space<vmem>>[vector<16xi32>, vector<16xi32>], vector<16xf32>,
    }
    %scan3A_22 = arith.constant 8 : i32
    %add3A_23 = arith.constant 0 : i32
    %add3A_24 = arith.addi %mul3A_2, %add3A_23 : i32
    %dma_start3A_25 = arith.constant 0 : i32
    %dma_start3A_26 = tpu.memref_slice %arg5[%add3A_24, %dma_start3A_25] : memref<16384x250xf32, #tpu.memory_space<hbm>> -> memref<128x250xf32, #tpu.memory_space<hbm>>
    %dma_start3A_27 = arith.constant 0 : i32
    %dma_start3A_28 = tpu.memref_slice %arg5[%add3A_24, %dma_start3A_27] : memref<16384x250xf32, #tpu.memory_space<hbm>> -> memref<128x250xf32, #tpu.memory_space<hbm>>
    tpu.enqueue_dma source(%arg9 : memref<128x250xf32, #tpu.memory_space<vmem>>) target(%dma_start3A_28 : memref<128x250xf32, #tpu.memory_space<hbm>>) target_semaphore(%arg14 : memref<!tpu.dma_semaphore, #tpu.memory_space<semaphore_mem>>)
    %scan3A_29 = arith.constant 0 : i32
    %scan3A_30 = arith.constant 0 : i32
    %scan3A_31 = arith.constant 128 : i32
    %scan3A_32 = arith.addi %scan3A_30, %scan3A_31 : i32
    %scan3A_33 = arith.constant 1 : i32
    scf.for %scan3A_129 = %scan3A_30 to %scan3A_32 step %scan3A_33  : i32 {
      %swap3A = arith.index_cast %scan3A_129 : i32 to index
      %swap3A_130 = arith.constant 0 : index
      %swap3A_131 = tpu.vector_load %arg10[%swap3A, %swap3A_130] {strides = array<i32>} : memref<128x250xf32, #tpu.memory_space<vmem>>, vector<16xf32>,
      tpu.vector_store %arg10[%swap3A, %swap3A_130], %broadcast_in_dim3A_6 {strides = array<i32>} : memref<128x250xf32, #tpu.memory_space<vmem>>, vector<16xf32>,
      %swap3A_132 = arith.index_cast %scan3A_129 : i32 to index
      %swap3A_133 = arith.constant 16 : index
      %swap3A_134 = tpu.vector_load %arg10[%swap3A_132, %swap3A_133] {strides = array<i32>} : memref<128x250xf32, #tpu.memory_space<vmem>>, vector<16xf32>,
      tpu.vector_store %arg10[%swap3A_132, %swap3A_133], %broadcast_in_dim3A_6 {strides = array<i32>} : memref<128x250xf32, #tpu.memory_space<vmem>>, vector<16xf32>,
      %swap3A_135 = arith.index_cast %scan3A_129 : i32 to index
      %swap3A_136 = arith.constant 32 : index
      %swap3A_137 = tpu.vector_load %arg10[%swap3A_135, %swap3A_136] {strides = array<i32>} : memref<128x250xf32, #tpu.memory_space<vmem>>, vector<16xf32>,
      tpu.vector_store %arg10[%swap3A_135, %swap3A_136], %broadcast_in_dim3A_6 {strides = array<i32>} : memref<128x250xf32, #tpu.memory_space<vmem>>, vector<16xf32>,
      %swap3A_138 = arith.index_cast %scan3A_129 : i32 to index
      %swap3A_139 = arith.constant 48 : index
      %swap3A_140 = tpu.vector_load %arg10[%swap3A_138, %swap3A_139] {strides = array<i32>} : memref<128x250xf32, #tpu.memory_space<vmem>>, vector<16xf32>,
      tpu.vector_store %arg10[%swap3A_138, %swap3A_139], %broadcast_in_dim3A_6 {strides = array<i32>} : memref<128x250xf32, #tpu.memory_space<vmem>>, vector<16xf32>,
      %swap3A_141 = arith.index_cast %scan3A_129 : i32 to index
      %swap3A_142 = arith.constant 64 : index
      %swap3A_143 = tpu.vector_load %arg10[%swap3A_141, %swap3A_142] {strides = array<i32>} : memref<128x250xf32, #tpu.memory_space<vmem>>, vector<16xf32>,
      tpu.vector_store %arg10[%swap3A_141, %swap3A_142], %broadcast_in_dim3A_6 {strides = array<i32>} : memref<128x250xf32, #tpu.memory_space<vmem>>, vector<16xf32>,
      %swap3A_144 = arith.index_cast %scan3A_129 : i32 to index
      %swap3A_145 = arith.constant 80 : index
      %swap3A_146 = tpu.vector_load %arg10[%swap3A_144, %swap3A_145] {strides = array<i32>} : memref<128x250xf32, #tpu.memory_space<vmem>>, vector<16xf32>,
      tpu.vector_store %arg10[%swap3A_144, %swap3A_145], %broadcast_in_dim3A_6 {strides = array<i32>} : memref<128x250xf32, #tpu.memory_space<vmem>>, vector<16xf32>,
      %swap3A_147 = arith.index_cast %scan3A_129 : i32 to index
      %swap3A_148 = arith.constant 96 : index
      %swap3A_149 = tpu.vector_load %arg10[%swap3A_147, %swap3A_148] {strides = array<i32>} : memref<128x250xf32, #tpu.memory_space<vmem>>, vector<16xf32>,
      tpu.vector_store %arg10[%swap3A_147, %swap3A_148], %broadcast_in_dim3A_6 {strides = array<i32>} : memref<128x250xf32, #tpu.memory_space<vmem>>, vector<16xf32>,
      %swap3A_150 = arith.index_cast %scan3A_129 : i32 to index
      %swap3A_151 = arith.constant 112 : index
      %swap3A_152 = tpu.vector_load %arg10[%swap3A_150, %swap3A_151] {strides = array<i32>} : memref<128x250xf32, #tpu.memory_space<vmem>>, vector<16xf32>,
      tpu.vector_store %arg10[%swap3A_150, %swap3A_151], %broadcast_in_dim3A_6 {strides = array<i32>} : memref<128x250xf32, #tpu.memory_space<vmem>>, vector<16xf32>,
      %swap3A_153 = arith.index_cast %scan3A_129 : i32 to index
      %swap3A_154 = arith.constant 128 : index
      %swap3A_155 = tpu.vector_load %arg10[%swap3A_153, %swap3A_154] {strides = array<i32>} : memref<128x250xf32, #tpu.memory_space<vmem>>, vector<16xf32>,
      tpu.vector_store %arg10[%swap3A_153, %swap3A_154], %broadcast_in_dim3A_6 {strides = array<i32>} : memref<128x250xf32, #tpu.memory_space<vmem>>, vector<16xf32>,
      %swap3A_156 = arith.index_cast %scan3A_129 : i32 to index
      %swap3A_157 = arith.constant 144 : index
      %swap3A_158 = tpu.vector_load %arg10[%swap3A_156, %swap3A_157] {strides = array<i32>} : memref<128x250xf32, #tpu.memory_space<vmem>>, vector<16xf32>,
      tpu.vector_store %arg10[%swap3A_156, %swap3A_157], %broadcast_in_dim3A_6 {strides = array<i32>} : memref<128x250xf32, #tpu.memory_space<vmem>>, vector<16xf32>,
      %swap3A_159 = arith.index_cast %scan3A_129 : i32 to index
      %swap3A_160 = arith.constant 160 : index
      %swap3A_161 = tpu.vector_load %arg10[%swap3A_159, %swap3A_160] {strides = array<i32>} : memref<128x250xf32, #tpu.memory_space<vmem>>, vector<16xf32>,
      tpu.vector_store %arg10[%swap3A_159, %swap3A_160], %broadcast_in_dim3A_6 {strides = array<i32>} : memref<128x250xf32, #tpu.memory_space<vmem>>, vector<16xf32>,
      %swap3A_162 = arith.index_cast %scan3A_129 : i32 to index
      %swap3A_163 = arith.constant 176 : index
      %swap3A_164 = tpu.vector_load %arg10[%swap3A_162, %swap3A_163] {strides = array<i32>} : memref<128x250xf32, #tpu.memory_space<vmem>>, vector<16xf32>,
      tpu.vector_store %arg10[%swap3A_162, %swap3A_163], %broadcast_in_dim3A_6 {strides = array<i32>} : memref<128x250xf32, #tpu.memory_space<vmem>>, vector<16xf32>,
      %swap3A_165 = arith.index_cast %scan3A_129 : i32 to index
      %swap3A_166 = arith.constant 192 : index
      %swap3A_167 = tpu.vector_load %arg10[%swap3A_165, %swap3A_166] {strides = array<i32>} : memref<128x250xf32, #tpu.memory_space<vmem>>, vector<16xf32>,
      tpu.vector_store %arg10[%swap3A_165, %swap3A_166], %broadcast_in_dim3A_6 {strides = array<i32>} : memref<128x250xf32, #tpu.memory_space<vmem>>, vector<16xf32>,
      %swap3A_168 = arith.index_cast %scan3A_129 : i32 to index
      %swap3A_169 = arith.constant 208 : index
      %swap3A_170 = tpu.vector_load %arg10[%swap3A_168, %swap3A_169] {strides = array<i32>} : memref<128x250xf32, #tpu.memory_space<vmem>>, vector<16xf32>,
      tpu.vector_store %arg10[%swap3A_168, %swap3A_169], %broadcast_in_dim3A_6 {strides = array<i32>} : memref<128x250xf32, #tpu.memory_space<vmem>>, vector<16xf32>,
      %swap3A_171 = arith.index_cast %scan3A_129 : i32 to index
      %swap3A_172 = arith.constant 224 : index
      %swap3A_173 = tpu.vector_load %arg10[%swap3A_171, %swap3A_172] {strides = array<i32>} : memref<128x250xf32, #tpu.memory_space<vmem>>, vector<16xf32>,
      tpu.vector_store %arg10[%swap3A_171, %swap3A_172], %broadcast_in_dim3A_6 {strides = array<i32>} : memref<128x250xf32, #tpu.memory_space<vmem>>, vector<16xf32>,
      %broadcast_in_dim3A_174 = arith.constant 0 : i32
      %broadcast_in_dim3A_175 = vector.broadcast %broadcast_in_dim3A_174 : i32 to vector<16xi32>
      %add3A_176 = vector.broadcast %scan3A_129 : i32 to vector<16xi32>
      %add3A_177 = arith.addi %broadcast_in_dim3A_175, %add3A_176 : vector<16xi32>
      %add3A_178 = arith.constant 240 : i32
      %add3A_179 = vector.broadcast %add3A_178 : i32 to vector<16xi32>
      %add3A_180 = arith.addi %add3A_179, %iota3A : vector<16xi32>
      tpu.vector_store_idx %arg10[%add3A_177, %add3A_180], %broadcast_in_dim3A_6 masked %lt3A_8 : memref<128x250xf32, #tpu.memory_space<vmem>>[vector<16xi32>, vector<16xi32>], vector<16xf32>, vector<16xi1>
    }
    %scan3A_34 = arith.constant 128 : i32
    %scan3A_35 = arith.constant 0 : i32
    %scan3A_36 = arith.constant 0 : i32
    %scan3A_37 = arith.constant 8 : i32
    %scan3A_38 = arith.addi %scan3A_36, %scan3A_37 : i32
    %scan3A_39 = arith.constant 1 : i32
    scf.for %scan3A_129 = %scan3A_36 to %scan3A_38 step %scan3A_39  : i32 {
      %mul3A_130 = arith.constant 16 : i32
      %mul3A_131 = arith.muli %scan3A_129, %mul3A_130 : i32
      %add3A_132 = arith.constant 128 : i32
      %add3A_133 = arith.addi %add3A_132, %mul3A_131 : i32
      %add3A_134 = arith.addi %mul3A_2, %add3A_133 : i32
      %get3A = arith.index_cast %add3A_134 : i32 to index
      %get3A_135 = tpu.vector_load %arg6[%get3A] {strides = array<i32>} : memref<16384xi32, #tpu.memory_space<vmem>>, vector<16xi32>,
      %get3A_136 = arith.index_cast %add3A_133 : i32 to index
      %get3A_137 = tpu.vector_load %arg7[%get3A_136] {strides = array<i32>} : memref<512xi32, #tpu.memory_space<vmem>>, vector<16xi32>,
      %gather3A = tpu.vector_load_idx %arg6[%get3A_137] : memref<16384xi32, #tpu.memory_space<vmem>>[vector<16xi32>], vector<16xi32>,
      %mul3A_138 = arith.constant 16 : i32
      %mul3A_139 = arith.muli %scan3A_129, %mul3A_138 : i32
      %add3A_140 = vector.broadcast %mul3A_139 : i32 to vector<16xi32>
      %add3A_141 = arith.addi %add3A_140, %iota3A : vector<16xi32>
      %get3A_142 = arith.index_cast %add3A_133 : i32 to index
      %get3A_143 = tpu.vector_load %arg8[%get3A_142] {strides = array<i32>} : memref<512xf32, #tpu.memory_space<vmem>>, vector<16xf32>,
      tpu.vector_store_idx %arg10[%add3A_141, %get3A_135], %get3A_143 : memref<128x250xf32, #tpu.memory_space<vmem>>[vector<16xi32>, vector<16xi32>], vector<16xf32>,
      %sub3A_144 = arith.constant 1.000000e+00 : f32
      %sub3A_145 = vector.broadcast %sub3A_144 : f32 to vector<16xf32>
      %sub3A_146 = arith.subf %sub3A_145, %get3A_143 : vector<16xf32>
      tpu.vector_store_idx %arg10[%add3A_141, %gather3A], %sub3A_146 {add = true} : memref<128x250xf32, #tpu.memory_space<vmem>>[vector<16xi32>, vector<16xi32>], vector<16xf32>,
    }
    %scan3A_40 = arith.constant 8 : i32
    %add3A_41 = arith.constant 128 : i32
    %add3A_42 = arith.addi %mul3A_2, %add3A_41 : i32
    %dma_start3A_43 = arith.constant 0 : i32
    %dma_start3A_44 = tpu.memref_slice %arg5[%add3A_42, %dma_start3A_43] : memref<16384x250xf32, #tpu.memory_space<hbm>> -> memref<128x250xf32, #tpu.memory_space<hbm>>
    %dma_start3A_45 = arith.constant 0 : i32
    %dma_start3A_46 = tpu.memref_slice %arg5[%add3A_42, %dma_start3A_45] : memref<16384x250xf32, #tpu.memory_space<hbm>> -> memref<128x250xf32, #tpu.memory_space<hbm>>
    tpu.enqueue_dma source(%arg10 : memref<128x250xf32, #tpu.memory_space<vmem>>) target(%dma_start3A_46 : memref<128x250xf32, #tpu.memory_space<hbm>>) target_semaphore(%arg15 : memref<!tpu.dma_semaphore, #tpu.memory_space<semaphore_mem>>)
    %scan3A_47 = arith.constant 0 : i32
    %scan3A_48 = arith.constant 0 : i32
    %mul3A_49 = arith.constant 2 : i32
    %mul3A_50 = arith.muli %scan3A_48, %mul3A_49 : i32
    %add3A_51 = arith.constant 2 : i32
    %add3A_52 = arith.addi %add3A_51, %mul3A_50 : i32
    %add3A_53 = arith.constant 0 : i32
    %add3A_54 = arith.addi %add3A_52, %add3A_53 : i32
    %sub3A = arith.constant 2 : i32
    %sub3A_55 = arith.subi %add3A_54, %sub3A : i32
    %mul3A_56 = arith.constant 128 : i32
    %mul3A_57 = arith.muli %sub3A_55, %mul3A_56 : i32
    %add3A_58 = arith.addi %mul3A_2, %mul3A_57 : i32
    %dma_wait3A_59 = arith.constant 0 : i32
    %dma_wait3A_60 = tpu.memref_slice %arg5[%add3A_58, %dma_wait3A_59] : memref<16384x250xf32, #tpu.memory_space<hbm>> -> memref<128x250xf32, #tpu.memory_space<hbm>>
    %dma_wait3A_61 = arith.constant 0 : i32
    %dma_wait3A_62 = tpu.memref_slice %arg5[%add3A_58, %dma_wait3A_61] : memref<16384x250xf32, #tpu.memory_space<hbm>> -> memref<128x250xf32, #tpu.memory_space<hbm>>
    tpu.wait_dma2 semaphore(%arg14 : memref<!tpu.dma_semaphore, #tpu.memory_space<semaphore_mem>>) src(%arg9 : memref<128x250xf32, #tpu.memory_space<vmem>>) dst(%dma_wait3A_62 : memref<128x250xf32, #tpu.memory_space<hbm>>)
    %sub3A_63 = arith.constant 2 : i32
    %sub3A_64 = arith.subi %add3A_54, %sub3A_63 : i32
    %scan3A_65 = arith.constant 0 : i32
    %scan3A_66 = arith.constant 0 : i32
    %scan3A_67 = arith.constant 8 : i32
    %scan3A_68 = arith.addi %scan3A_66, %scan3A_67 : i32
    %scan3A_69 = arith.constant 1 : i32
    scf.for %scan3A_129 = %scan3A_66 to %scan3A_68 step %scan3A_69  : i32 {
      %mul3A_130 = arith.constant 128 : i32
      %mul3A_131 = arith.muli %sub3A_64, %mul3A_130 : i32
      %mul3A_132 = arith.constant 16 : i32
      %mul3A_133 = arith.muli %scan3A_129, %mul3A_132 : i32
      %add3A_134 = arith.addi %mul3A_131, %mul3A_133 : i32
      %add3A_135 = arith.addi %mul3A_2, %add3A_134 : i32
      %get3A = arith.index_cast %add3A_135 : i32 to index
      %get3A_136 = tpu.vector_load %arg6[%get3A] {strides = array<i32>} : memref<16384xi32, #tpu.memory_space<vmem>>, vector<16xi32>,
      %get3A_137 = arith.index_cast %add3A_134 : i32 to index
      %get3A_138 = tpu.vector_load %arg7[%get3A_137] {strides = array<i32>} : memref<512xi32, #tpu.memory_space<vmem>>, vector<16xi32>,
      %gather3A = tpu.vector_load_idx %arg6[%get3A_138] : memref<16384xi32, #tpu.memory_space<vmem>>[vector<16xi32>], vector<16xi32>,
      %mul3A_139 = arith.constant 16 : i32
      %mul3A_140 = arith.muli %scan3A_129, %mul3A_139 : i32
      %add3A_141 = vector.broadcast %mul3A_140 : i32 to vector<16xi32>
      %add3A_142 = arith.addi %add3A_141, %iota3A : vector<16xi32>
      tpu.vector_store_idx %arg9[%add3A_142, %get3A_136], %broadcast_in_dim3A_6 : memref<128x250xf32, #tpu.memory_space<vmem>>[vector<16xi32>, vector<16xi32>], vector<16xf32>,
      tpu.vector_store_idx %arg9[%add3A_142, %gather3A], %broadcast_in_dim3A_6 : memref<128x250xf32, #tpu.memory_space<vmem>>[vector<16xi32>, vector<16xi32>], vector<16xf32>,
    }
    %scan3A_70 = arith.constant 8 : i32
    %scan3A_71 = arith.constant 0 : i32
    %scan3A_72 = arith.constant 0 : i32
    %scan3A_73 = arith.constant 8 : i32
    %scan3A_74 = arith.addi %scan3A_72, %scan3A_73 : i32
    %scan3A_75 = arith.constant 1 : i32
    scf.for %scan3A_129 = %scan3A_72 to %scan3A_74 step %scan3A_75  : i32 {
      %mul3A_130 = arith.constant 128 : i32
      %mul3A_131 = arith.muli %add3A_54, %mul3A_130 : i32
      %mul3A_132 = arith.constant 16 : i32
      %mul3A_133 = arith.muli %scan3A_129, %mul3A_132 : i32
      %add3A_134 = arith.addi %mul3A_131, %mul3A_133 : i32
      %add3A_135 = arith.addi %mul3A_2, %add3A_134 : i32
      %get3A = arith.index_cast %add3A_135 : i32 to index
      %get3A_136 = tpu.vector_load %arg6[%get3A] {strides = array<i32>} : memref<16384xi32, #tpu.memory_space<vmem>>, vector<16xi32>,
      %get3A_137 = arith.index_cast %add3A_134 : i32 to index
      %get3A_138 = tpu.vector_load %arg7[%get3A_137] {strides = array<i32>} : memref<512xi32, #tpu.memory_space<vmem>>, vector<16xi32>,
      %gather3A = tpu.vector_load_idx %arg6[%get3A_138] : memref<16384xi32, #tpu.memory_space<vmem>>[vector<16xi32>], vector<16xi32>,
      %mul3A_139 = arith.constant 16 : i32
      %mul3A_140 = arith.muli %scan3A_129, %mul3A_139 : i32
      %add3A_141 = vector.broadcast %mul3A_140 : i32 to vector<16xi32>
      %add3A_142 = arith.addi %add3A_141, %iota3A : vector<16xi32>
      %get3A_143 = arith.index_cast %add3A_134 : i32 to index
      %get3A_144 = tpu.vector_load %arg8[%get3A_143] {strides = array<i32>} : memref<512xf32, #tpu.memory_space<vmem>>, vector<16xf32>,
      tpu.vector_store_idx %arg9[%add3A_142, %get3A_136], %get3A_144 : memref<128x250xf32, #tpu.memory_space<vmem>>[vector<16xi32>, vector<16xi32>], vector<16xf32>,
      %sub3A_145 = arith.constant 1.000000e+00 : f32
      %sub3A_146 = vector.broadcast %sub3A_145 : f32 to vector<16xf32>
      %sub3A_147 = arith.subf %sub3A_146, %get3A_144 : vector<16xf32>
      tpu.vector_store_idx %arg9[%add3A_142, %gather3A], %sub3A_147 {add = true} : memref<128x250xf32, #tpu.memory_space<vmem>>[vector<16xi32>, vector<16xi32>], vector<16xf32>,
    }
    %scan3A_76 = arith.constant 8 : i32
    %mul3A_77 = arith.constant 128 : i32
    %mul3A_78 = arith.muli %add3A_54, %mul3A_77 : i32
    %add3A_79 = arith.addi %mul3A_2, %mul3A_78 : i32
    %dma_start3A_80 = arith.constant 0 : i32
    %dma_start3A_81 = tpu.memref_slice %arg5[%add3A_79, %dma_start3A_80] : memref<16384x250xf32, #tpu.memory_space<hbm>> -> memref<128x250xf32, #tpu.memory_space<hbm>>
    %dma_start3A_82 = arith.constant 0 : i32
    %dma_start3A_83 = tpu.memref_slice %arg5[%add3A_79, %dma_start3A_82] : memref<16384x250xf32, #tpu.memory_space<hbm>> -> memref<128x250xf32, #tpu.memory_space<hbm>>
    tpu.enqueue_dma source(%arg9 : memref<128x250xf32, #tpu.memory_space<vmem>>) target(%dma_start3A_83 : memref<128x250xf32, #tpu.memory_space<hbm>>) target_semaphore(%arg14 : memref<!tpu.dma_semaphore, #tpu.memory_space<semaphore_mem>>)
    %add3A_84 = arith.constant 1 : i32
    %add3A_85 = arith.addi %add3A_52, %add3A_84 : i32
    %sub3A_86 = arith.constant 2 : i32
    %sub3A_87 = arith.subi %add3A_85, %sub3A_86 : i32
    %mul3A_88 = arith.constant 128 : i32
    %mul3A_89 = arith.muli %sub3A_87, %mul3A_88 : i32
    %add3A_90 = arith.addi %mul3A_2, %mul3A_89 : i32
    %dma_wait3A_91 = arith.constant 0 : i32
    %dma_wait3A_92 = tpu.memref_slice %arg5[%add3A_90, %dma_wait3A_91] : memref<16384x250xf32, #tpu.memory_space<hbm>> -> memref<128x250xf32, #tpu.memory_space<hbm>>
    %dma_wait3A_93 = arith.constant 0 : i32
    %dma_wait3A_94 = tpu.memref_slice %arg5[%add3A_90, %dma_wait3A_93] : memref<16384x250xf32, #tpu.memory_space<hbm>> -> memref<128x250xf32, #tpu.memory_space<hbm>>
    tpu.wait_dma2 semaphore(%arg15 : memref<!tpu.dma_semaphore, #tpu.memory_space<semaphore_mem>>) src(%arg10 : memref<128x250xf32, #tpu.memory_space<vmem>>) dst(%dma_wait3A_94 : memref<128x250xf32, #tpu.memory_space<hbm>>)
    %sub3A_95 = arith.constant 2 : i32
    %sub3A_96 = arith.subi %add3A_85, %sub3A_95 : i32
    %scan3A_97 = arith.constant 0 : i32
    %scan3A_98 = arith.constant 0 : i32
    %scan3A_99 = arith.constant 8 : i32
    %scan3A_100 = arith.addi %scan3A_98, %scan3A_99 : i32
    %scan3A_101 = arith.constant 1 : i32
    scf.for %scan3A_129 = %scan3A_98 to %scan3A_100 step %scan3A_101  : i32 {
      %mul3A_130 = arith.constant 128 : i32
      %mul3A_131 = arith.muli %sub3A_96, %mul3A_130 : i32
      %mul3A_132 = arith.constant 16 : i32
      %mul3A_133 = arith.muli %scan3A_129, %mul3A_132 : i32
      %add3A_134 = arith.addi %mul3A_131, %mul3A_133 : i32
      %add3A_135 = arith.addi %mul3A_2, %add3A_134 : i32
      %get3A = arith.index_cast %add3A_135 : i32 to index
      %get3A_136 = tpu.vector_load %arg6[%get3A] {strides = array<i32>} : memref<16384xi32, #tpu.memory_space<vmem>>, vector<16xi32>,
      %get3A_137 = arith.index_cast %add3A_134 : i32 to index
      %get3A_138 = tpu.vector_load %arg7[%get3A_137] {strides = array<i32>} : memref<512xi32, #tpu.memory_space<vmem>>, vector<16xi32>,
      %gather3A = tpu.vector_load_idx %arg6[%get3A_138] : memref<16384xi32, #tpu.memory_space<vmem>>[vector<16xi32>], vector<16xi32>,
      %mul3A_139 = arith.constant 16 : i32
      %mul3A_140 = arith.muli %scan3A_129, %mul3A_139 : i32
      %add3A_141 = vector.broadcast %mul3A_140 : i32 to vector<16xi32>
      %add3A_142 = arith.addi %add3A_141, %iota3A : vector<16xi32>
      tpu.vector_store_idx %arg10[%add3A_142, %get3A_136], %broadcast_in_dim3A_6 : memref<128x250xf32, #tpu.memory_space<vmem>>[vector<16xi32>, vector<16xi32>], vector<16xf32>,
      tpu.vector_store_idx %arg10[%add3A_142, %gather3A], %broadcast_in_dim3A_6 : memref<128x250xf32, #tpu.memory_space<vmem>>[vector<16xi32>, vector<16xi32>], vector<16xf32>,
    }
    %scan3A_102 = arith.constant 8 : i32
    %scan3A_103 = arith.constant 0 : i32
    %scan3A_104 = arith.constant 0 : i32
    %scan3A_105 = arith.constant 8 : i32
    %scan3A_106 = arith.addi %scan3A_104, %scan3A_105 : i32
    %scan3A_107 = arith.constant 1 : i32
    scf.for %scan3A_129 = %scan3A_104 to %scan3A_106 step %scan3A_107  : i32 {
      %mul3A_130 = arith.constant 128 : i32
      %mul3A_131 = arith.muli %add3A_85, %mul3A_130 : i32
      %mul3A_132 = arith.constant 16 : i32
      %mul3A_133 = arith.muli %scan3A_129, %mul3A_132 : i32
      %add3A_134 = arith.addi %mul3A_131, %mul3A_133 : i32
      %add3A_135 = arith.addi %mul3A_2, %add3A_134 : i32
      %get3A = arith.index_cast %add3A_135 : i32 to index
      %get3A_136 = tpu.vector_load %arg6[%get3A] {strides = array<i32>} : memref<16384xi32, #tpu.memory_space<vmem>>, vector<16xi32>,
      %get3A_137 = arith.index_cast %add3A_134 : i32 to index
      %get3A_138 = tpu.vector_load %arg7[%get3A_137] {strides = array<i32>} : memref<512xi32, #tpu.memory_space<vmem>>, vector<16xi32>,
      %gather3A = tpu.vector_load_idx %arg6[%get3A_138] : memref<16384xi32, #tpu.memory_space<vmem>>[vector<16xi32>], vector<16xi32>,
      %mul3A_139 = arith.constant 16 : i32
      %mul3A_140 = arith.muli %scan3A_129, %mul3A_139 : i32
      %add3A_141 = vector.broadcast %mul3A_140 : i32 to vector<16xi32>
      %add3A_142 = arith.addi %add3A_141, %iota3A : vector<16xi32>
      %get3A_143 = arith.index_cast %add3A_134 : i32 to index
      %get3A_144 = tpu.vector_load %arg8[%get3A_143] {strides = array<i32>} : memref<512xf32, #tpu.memory_space<vmem>>, vector<16xf32>,
      tpu.vector_store_idx %arg10[%add3A_142, %get3A_136], %get3A_144 : memref<128x250xf32, #tpu.memory_space<vmem>>[vector<16xi32>, vector<16xi32>], vector<16xf32>,
      %sub3A_145 = arith.constant 1.000000e+00 : f32
      %sub3A_146 = vector.broadcast %sub3A_145 : f32 to vector<16xf32>
      %sub3A_147 = arith.subf %sub3A_146, %get3A_144 : vector<16xf32>
      tpu.vector_store_idx %arg10[%add3A_142, %gather3A], %sub3A_147 {add = true} : memref<128x250xf32, #tpu.memory_space<vmem>>[vector<16xi32>, vector<16xi32>], vector<16xf32>,
    }
    %scan3A_108 = arith.constant 8 : i32
    %mul3A_109 = arith.constant 128 : i32
    %mul3A_110 = arith.muli %add3A_85, %mul3A_109 : i32
    %add3A_111 = arith.addi %mul3A_2, %mul3A_110 : i32
    %dma_start3A_112 = arith.constant 0 : i32
    %dma_start3A_113 = tpu.memref_slice %arg5[%add3A_111, %dma_start3A_112] : memref<16384x250xf32, #tpu.memory_space<hbm>> -> memref<128x250xf32, #tpu.memory_space<hbm>>
    %dma_start3A_114 = arith.constant 0 : i32
    %dma_start3A_115 = tpu.memref_slice %arg5[%add3A_111, %dma_start3A_114] : memref<16384x250xf32, #tpu.memory_space<hbm>> -> memref<128x250xf32, #tpu.memory_space<hbm>>
    tpu.enqueue_dma source(%arg10 : memref<128x250xf32, #tpu.memory_space<vmem>>) target(%dma_start3A_115 : memref<128x250xf32, #tpu.memory_space<hbm>>) target_semaphore(%arg15 : memref<!tpu.dma_semaphore, #tpu.memory_space<semaphore_mem>>)
    %scan3A_116 = arith.constant 1 : i32
    %add3A_117 = arith.constant 256 : i32
    %add3A_118 = arith.addi %mul3A_2, %add3A_117 : i32
    %dma_wait3A_119 = arith.constant 0 : i32
    %dma_wait3A_120 = tpu.memref_slice %arg5[%add3A_118, %dma_wait3A_119] : memref<16384x250xf32, #tpu.memory_space<hbm>> -> memref<128x250xf32, #tpu.memory_space<hbm>>
    %dma_wait3A_121 = arith.constant 0 : i32
    %dma_wait3A_122 = tpu.memref_slice %arg5[%add3A_118, %dma_wait3A_121] : memref<16384x250xf32, #tpu.memory_space<hbm>> -> memref<128x250xf32, #tpu.memory_space<hbm>>
    tpu.wait_dma2 semaphore(%arg14 : memref<!tpu.dma_semaphore, #tpu.memory_space<semaphore_mem>>) src(%arg9 : memref<128x250xf32, #tpu.memory_space<vmem>>) dst(%dma_wait3A_122 : memref<128x250xf32, #tpu.memory_space<hbm>>)
    %add3A_123 = arith.constant 384 : i32
    %add3A_124 = arith.addi %mul3A_2, %add3A_123 : i32
    %dma_wait3A_125 = arith.constant 0 : i32
    %dma_wait3A_126 = tpu.memref_slice %arg5[%add3A_124, %dma_wait3A_125] : memref<16384x250xf32, #tpu.memory_space<hbm>> -> memref<128x250xf32, #tpu.memory_space<hbm>>
    %dma_wait3A_127 = arith.constant 0 : i32
    %dma_wait3A_128 = tpu.memref_slice %arg5[%add3A_124, %dma_wait3A_127] : memref<16384x250xf32, #tpu.memory_space<hbm>> -> memref<128x250xf32, #tpu.memory_space<hbm>>
    tpu.wait_dma2 semaphore(%arg15 : memref<!tpu.dma_semaphore, #tpu.memory_space<semaphore_mem>>) src(%arg10 : memref<128x250xf32, #tpu.memory_space<vmem>>) dst(%dma_wait3A_128 : memref<128x250xf32, #tpu.memory_space<hbm>>)
    return
  }
}

</mosaic_0001>

<sc_bundles>
// kernel: kernel.3.cloned.1.call-start
scs
__scs_entry_jumppad:
0x0: {  	(pc) =	sbr.rel $0x88, $3  }
0x1: {  	(tag) =	ssettag $0x0;
	lr =	simm.s32 $0x1  }
0x2: {  	[smem:$0x3F9E] =	sst lr;
	_ =	strace $0xD0000000  }
0x3: {  	_ = 	snop  }
0x4: {  	_ = 	snop  }
0x5: {  	_ = 	snop  }
0x6: {  	_ = 	snop  }
0x7: {  	_ = 	snop  }
__scs_overlays_trampoline_lowered:
0x8: {  	[smem:$0x3FAD] =	sst s0  }
0x9: {  	[smem:$0x3FAE] =	sst s1  }
0xa: {  	[smem:$0x3FAF] =	sst s2  }
0xb: {  	[smem:$0x3FB0] =	sst s3  }
0xc: {  	[smem:$0x3FB1] =	sst s4  }
0xd: {  	[smem:$0x3FB2] =	sst s5  }
0xe: {  	[smem:$0x3FB3] =	sst s6  }
0xf: {  	[smem:$0x3FB4] =	sst s7  }
0x10: {  	[smem:$0x3FB5] =	sst s8  }
0x11: {  	[smem:$0x3FB6] =	sst s9;
	s0 =	simm.s32 @!p0 $0x0  }
0x12: {  	s1 =	sld [smem:$0x3F9C];
	s0 =	simm.s32 @p0 $0x1  }
0x13: {  	[smem:$0x3FB7] =	sst s0;
	s0 =	simm.s32 @!p1 $0x0  }
0x14: {  	s2 =	sld [smem:$0x3F9B];
	s0 =	simm.s32 @p1 $0x1  }
0x15: {  	[smem:$0x3FB8] =	sst s0;
	s0 =	simm.s32 @!p2 $0x0  }
0x16: {  	s3 =	sld [smem:$0x3FDB];
	s0 =	simm.s32 @p2 $0x1  }
0x17: {  	s4 =	simm.s32 $0x1BF5;
	[smem:$0x3FBA] =	sst s0  }
0x18: {  	s0 =	sld [smem:$0x3F9D];
	_ =	swait.ge [sflag:s4], $0x0  }
0x19: {  	s7 =	sld [smem:$0x3F9E]  }
0x1a: {  	s8 =	sadd.s32 $0xFFFFE003, lr  }
0x1b: {  	s9 =	sadd.s32 $0xFFFFFEF7, lr;
	s5 =	simm.s32 $0xFFFFFFFF;
	p2 =	slt.u32 s8, $0xFFFFF086  }
0x1c: {  	p1 =	slt.u32 s9, $0xF7A;
	s5 =	simm.s32 @!p2 $0x0  }
0x1d: {  	s5 =	simm.s32 @p1 $0x1;
	p0 =	seq.s32 s7, s2  }
0x1e: {  	s7 =	smul.u32 @!p0 $0xF7A, s2;
	p2 =	seq.s32 @!p0 s5, $0x0  }
0x1f: {  	s9 =	smul.u32 $0xF7A, s1;
	s8 =	simm.s32 @!p0 $0x1BF5;
	p2 =	por !p2, p0  }
0x20: {  	[sflag:s8] =	ssyncset.s32 @!p0 $0xFFFFF086;
	s6 =	sadd.s32 @!p0 s3, s7;
	s7 =	simm.s32 @!p0 $0x108  }
0x21: {  	s3 =	sadd.s32 s3, s9;
	s6 =	sadd.s32 @!p0 $0x88, s6;
	s7 =	simm.s32 @p2 $0x1082  }
0x22: {  	[simem:s7], [sflag:s8] =	dma.local @!p0 [hbm:s6], $0xF7A  }
0x23: {  	s9 =	sor.u32 $0xD0000000, s2;
	s6 =	simm.s32 $0x108;
	_ =	swait.ge @!p0 [sflag:s8], $0x0  }
0x24: {  	s3 =	sadd.s32 $0x88, s3;
	s6 =	simm.s32 @!p1 $0x1082;
	[sflag:s4] =	ssyncset.s32 $0xFFFFF086  }
0x25: {  	[simem:s6], [sflag:s4] =	dma.local [hbm:s3], $0xF7A  }
0x26: {  	[smem:$0x3F9E] =	sst s1;
	(tag) =	ssettag s2;
	_ =	strace s9  }
0x27: {  	s1 =	sld [smem:$0x3FAE]  }
0x28: {  	s2 =	sld [smem:$0x3FAF]  }
0x29: {  	s4 =	sld [smem:$0x3FB1]  }
0x2a: {  	p0 =	seq.s32 s5, $0x0;
	s5 =	sld [smem:$0x3FB2]  }
0x2b: {  	s6 =	sld [smem:$0x3FB3]  }
0x2c: {  	s7 =	sld [smem:$0x3FB4]  }
0x2d: {  	s3 =	simm.s32 $0x108;
	s8 =	sld [smem:$0x3FB5]  }
0x2e: {  	s3 =	simm.s32 @!p0 $0x1082;
	s9 =	sld [smem:$0x3FB6]  }
0x2f: {  	lr =	sadd.s32 s0, s3;
	s0 =	sld [smem:$0x3FAD]  }
0x30: {  	s3 =	sld [smem:$0x3FB0]  }
0x31: {  	[smem:$0x3FB9] =	sst s10  }
0x32: {  	s10 =	sld [smem:$0x3FB7];
	_ =	sdelay $0x3  }
0x33: {  	p0 =	seq.s32 s10, $0x1;
	s10 =	sld [smem:$0x3FB9];
	_ =	sdelay $0x3  }
0x34: {  	[smem:$0x3FB9] =	sst s10  }
0x35: {  	s10 =	sld [smem:$0x3FB8];
	_ =	sdelay $0x3  }
0x36: {  	p1 =	seq.s32 s10, $0x1;
	s10 =	sld [smem:$0x3FB9];
	_ =	sdelay $0x3  }
0x37: {  	[smem:$0x3FB9] =	sst s10  }
0x38: {  	s10 =	sld [smem:$0x3FBA]  }
0x39: {  	_ = 	snop;
	(pc) =	sbr.ind lr, $3  }
0x3a: {  	_ = 	snop  }
0x3b: {  	_ = 	snop  }
0x3c: {  	p2 =	seq.s32 s10, $0x1;
	s10 =	sld [smem:$0x3FB9]  }
0x3d: {  	_ =	shalt  }
0x3e: {  	_ =	shalt  }
0x3f: {  	_ =	shalt  }
0x40: {  	_ =	shalt  }
0x41: {  	_ =	shalt  }
0x42: {  	_ =	shalt  }
0x43: {  	_ =	shalt  }
0x44: {  	_ =	shalt  }
0x45: {  	_ =	shalt  }
0x46: {  	_ =	shalt  }
0x47: {  	_ =	shalt  }
0x48: {  	_ =	shalt  }
0x49: {  	_ =	shalt  }
0x4a: {  	_ =	shalt  }
0x4b: {  	_ =	shalt  }
0x4c: {  	_ =	shalt  }
0x4d: {  	_ =	shalt  }
0x4e: {  	_ =	shalt  }
0x4f: {  	_ =	shalt  }
0x50: {  	_ =	shalt  }
0x51: {  	_ =	shalt  }
0x52: {  	_ =	shalt  }
0x53: {  	_ =	shalt  }
0x54: {  	_ =	shalt  }
0x55: {  	_ =	shalt  }
0x56: {  	_ =	shalt  }
0x57: {  	_ =	shalt  }
0x58: {  	_ =	shalt  }
0x59: {  	_ =	shalt  }
0x5a: {  	_ =	shalt  }
0x5b: {  	_ =	shalt  }
0x5c: {  	_ =	shalt  }
0x5d: {  	_ =	shalt  }
0x5e: {  	_ =	shalt  }
0x5f: {  	_ =	shalt  }
0x60: {  	_ =	shalt  }
0x61: {  	_ =	shalt  }
0x62: {  	_ =	shalt  }
0x63: {  	_ =	shalt  }
0x64: {  	_ =	shalt  }
0x65: {  	_ =	shalt  }
0x66: {  	_ =	shalt  }
0x67: {  	_ =	shalt  }
0x68: {  	_ =	shalt  }
0x69: {  	_ =	shalt  }
0x6a: {  	_ =	shalt  }
0x6b: {  	_ =	shalt  }
0x6c: {  	_ =	shalt  }
0x6d: {  	_ =	shalt  }
0x6e: {  	_ =	shalt  }
0x6f: {  	_ =	shalt  }
0x70: {  	_ =	shalt  }
0x71: {  	_ =	shalt  }
0x72: {  	_ =	shalt  }
0x73: {  	_ =	shalt  }
0x74: {  	_ =	shalt  }
0x75: {  	_ =	shalt  }
0x76: {  	_ =	shalt  }
0x77: {  	_ =	shalt  }
0x78: {  	_ =	shalt  }
0x79: {  	_ =	shalt  }
0x7a: {  	_ =	shalt  }
0x7b: {  	_ =	shalt  }
0x7c: {  	_ =	shalt  }
0x7d: {  	_ =	shalt  }
0x7e: {  	_ =	shalt  }
0x7f: {  	_ =	shalt  }
0x80: {  	_ =	shalt  }
0x81: {  	_ =	shalt  }
0x82: {  	_ =	shalt  }
0x83: {  	_ =	shalt  }
0x84: {  	_ =	shalt  }
0x85: {  	_ =	shalt  }
0x86: {  	_ =	shalt  }
0x87: {  	_ =	shalt  }
.Lfunc_end0:
.L_simem_size_0:
called_computation_lowered:
.L_overlay_start_0:
0x88: {  	s2 =	sld [smem:$0x3FD9]  }
0x89: {  	s3 =	sld [smem:$0x3FFE];
	_ =	sdelay $0x1  }
0x8a: {  	s1 =	srdreg.scid  }
0x8b: {  	s0 =	sand.u32 $0x1, s1  }
0x8c: {  	s15 =	sshll.u32 s0, $0xA;
	s2 =	sadd.s32 s3, s2  }
0x8d: {  	s2 =	sadd.s32 s2, s15  }
0x8e: {  	[smem:$0x3FC5] =	sst s2  }
0x8f: {  	_ = 	snop  }
0x90: {  	s2 =	sld [smem:$0x3FD0]  }
0x91: {  	s16 =	sld [smem:$0x3FC9]  }
0x92: {  	s4 =	sld [smem:$0x3FC8]  }
0x93: {  	s6 =	simm.s32 $0xA;
	s7 =	simm.s32 $0x10;
	s5 =	sld [smem:$0x3FC7]  }
0x94: {  	[smem:s7], [sflag:s6] =	dma.local [hbm:s2], $0x1  }
0x95: {  	_ =	swait.eq [sflag:s6], $0x1  }
0x96: {  	[sflag:s6] =	ssyncset.done $0x0  }
0x97: {  	[sflag:s6] =	ssyncadd.s32 $0xFFFFFFFF  }
0x98: {  	s17 =	sld [smem:$0x12];
	(tm) =	ssettm $0x1  }
0x99: {  	s18 =	sld [smem:$0x3FFB];
	_ =	sdelay $0x3  }
0x9a: {  	_ =	strace s18  }
0x9b: {  	s6 =	sld [smem:$0x3FFC];
	_ =	sdelay $0x3  }
0x9c: {  	_ =	strace s6  }
0x9d: {  	s6 =	sld [smem:$0x3FFD];
	_ =	sdelay $0x3  }
0x9e: {  	_ =	strace s6  }
0x9f: {  	_ =	strace $0x8FFFFFFF  }
0xa0: {  	s19 =	sld [smem:$0x3FDB];
	_ =	sdelay $0x1  }
0xa1: {  	s20 =	simm.s32 $_scs_section_size  }
0xa2: {  	s8 =	simm.s32 $_size__tile_overlayer_lowered;
	s9 =	simm.s32 $_tile_overlayer_lowered  }
0xa3: {  	s23 =	simm.s32 $0x1BFF;
	s22 =	sshll.u32 s9, $0x1;
	s6 =	sadd.s32 s20, s19  }
0xa4: {  	s10 =	simm.s32 $0x0;
	s21 =	sshll.u32 s8, $0x1;
	s8 =	sadd.s32 s22, s6  }
0xa5: {  	[timem:s10], [sflag:s23] =	dma.local [hbm:s8], s21  }
0xa6: {  	_ =	swait.ge [sflag:s23], s21  }
0xa7: {  	s7 =	ssub.s32 $0x0, s21;
	[sflag:s23] =	ssyncset.done $0x0  }
0xa8: {  	[sflag:s23] =	ssyncadd.s32 s7;
	_ =	sdelay $0x1  }
0xa9: {  	s24 =	simm.s32 $0x1B8B  }
0xaa: {  	_ =	swait.ge [sflag:s24], $0x1  }
0xab: {  	[sflag:s24] =	ssyncset.done $0x0  }
0xac: {  	s25 =	simm.s32 $0x1B8E;
	[sflag:s24] =	ssyncadd.s32 $0xFFFFFFFF  }
0xad: {  	s26 =	simm.s32 $execute0_lowered;
	[smem:$0x3FD2] =	sst s25  }
0xae: {  	s7 =	sshll.u32 s26, $0x1;
	_ =	strace $0x80000046;
	[dreg:$0x1] =	wrdreg $0xFFFFFFFF  }
0xaf: {  	s28 =	simm.s32 $_size_execute0_lowered;
	s6 =	sadd.s32 s6, s7;
	[dreg:$0x0] =	wrdreg $0x0  }
0xb0: {  	s7 =	sshll.u32 s28, $0x1;
	[dreg:$0x2] =	wrdreg s6  }
0xb1: {  	[dreg:$0x3] =	wrdreg s7  }
0xb2: {  	[dreg:$0x4] =	wrdreg $0xC0  }
0xb3: {  	_ =	task [dreg:s10], $0x5FFFF  }
0xb4: {  	[dreg:$0x1] =	wrdreg $0xFFFFFFFF  }
0xb5: {  	[dreg:$0x0] =	wrdreg $0x60  }
0xb6: {  	[dreg:$0x2] =	wrdreg s16  }
0xb7: {  	[dreg:$0x3] =	wrdreg s4  }
0xb8: {  	[dreg:$0x4] =	wrdreg s5  }
0xb9: {  	[dreg:$0x5] =	wrdreg s17  }
0xba: {  	[dreg:$0x6] =	wrdreg $0x9  }
0xbb: {  	_ =	task.clear_ibuf [dreg:s10], $0x7FFFF;
	_ =	strace $0x90000046  }
0xbc: {  	s29 =	simm.s32 $0x9;
	_ =	strace $0x80000048  }
0xbd: {  	_ =	swait.ge [sflag:s29], $0x1  }
0xbe: {  	[sflag:s29] =	ssyncadd.s32 $0xFFFFFFFF  }
0xbf: {  	_ =	strace $0x90000048  }
0xc0: {  	_ =	sfence  }
0xc1: {  	s30 =	sld [smem:$0x0];
	_ =	sdelay $0x2  }
0xc2: {  	s31 =	sshll.u32 s1, $0xD;
	s1 =	sshrl.u32 s1, $0x2  }
0xc3: {  	s3 =	sand.u32 $0x4000, s31;
	s1 =	sadd.s32 s1, s30  }
0xc4: {  	s0 =	sor.u32 s3, s0;
	s1 =	sshll.u32 s1, $0x11  }
0xc5: {  	s0 =	sor.u32 s1, s0  }
0xc6: {  	s0 =	sadd.s32 $0x8F2B, s0  }
0xc7: {  	[sflag:s0] =	ssyncadd.remote.s32 $0x1  }
0xc8: {  	_ =	sfence.sel $0xFFFF  }
0xc9: {  	[dreg:$0x0] =	wrdreg $0xFFFFFFFF;
	(pc) =	sbr.abs _section_cstart, $3  }
0xca: {  	[dreg:$0x1] =	wrdreg $0xFFFFFFFF  }
0xcb: {  	_ =	task.clear_ibuf [dreg:s10], $0x2FFFF;
	_ =	strace $0x9FFFFFFF  }
0xcc: {  	(tm) =	ssettm $0x7FFFFFFF  }
0xcd: {  	_ =	shalt  }
tec
execute0_lowered:
.L_overlay_start_1:
0x0: {  	(tag) =	ssettag $0x1  }
0x1: {  	s1 =	rddreg [dreg:$0x0]  }
0x2: {  	s4 =	rddreg [dreg:$0x1]  }
0x3: {  	s5 =	rddreg [dreg:$0x2]  }
0x4: {  	s6 =	rddreg [dreg:$0x3];
	s3 =	simm.s32 $0x0;
	s7 =	srdreg.scid  }
0x5: {  	s2 =	stileid.u32;
	s16 =	simm.s32 $0x4200;
	s17 =	simm.s32 $0x4400  }
0x6: {  	s18 =	simm.s32 $0x1;
	s19 =	simm.s32 $0x2;
	s20 =	simm.s32 $0x3  }
0x7: {  	s21 =	simm.s32 $0xC400;
	s22 =	simm.s32 $0x4;
	s23 =	simm.s32 $0x5  }
0x8: {  	s24 =	simm.s32 $0x0;
	[smem:$0x7FF] =	sst s3;
	s8 =	sand.u32 $0x1, s7  }
0x9: {  	s9 =	sshll.u32 s2, $0xA;
	s31 =	sshll.u32 s2, $0xC;
	s7 =	ssub.s32 $0x2, s8  }
0xa: {  	s10 =	sshll.u32 s8, $0x9;
	_ =	strace $0x80000047;
	s12 =	sshll.u32 s8, $0xB  }
0xb: {  	s11 =	sshrl.u32 s7, $0x1;
	s9 =	sor.u32 s10, s9;
	s13 =	sor.u32 s12, s31  }
0xc: {  	s29 =	ssub.s32 s7, s11;
	s30 =	sshrl.u32 s9, $0x3;
	s9 =	sshll.u32 s9, $0x5  }
0xd: {  	s11 =	sshrl.u32 s13, $0x2;
	s12 =	sor.u32 $0x200, s13;
	s14 =	sor.u32 $0x400, s13  }
0xe: {  	s15 =	sor.u32 $0x600, s13;
	s4 =	sadd.s32 s4, s30;
	s5 =	sadd.s32 s5, s30  }
0xf: {  	v2 =	vlaneseq.u32;
	s6 =	sadd.s32 s6, s9;
	s10 =	smax.u32 s29, $0x1;
	s12 =	sshrl.u32 s12, $0x2  }
0x10: {  	v0 =	vimm.f32 $0.0e+00;
	v3 =	vand.u32 $0x7, v2;
	s13 =	sshrl.u32 s14, $0x2;
	s14 =	sshrl.u32 s15, $0x2;
	s15 =	simm.s32 $0x4000  }
0x11: {  	v1 =	vor.u32 $0x470, v2;
	v2 =	vmul.u32 $0x100, v2;
	v3 =	vmul.u32 $0x80, v3;
	s7 =	sadd.s32 $0x1000, s6;
	s8 =	sadd.s32 $0x2000, s6;
	s9 =	sadd.s32 $0x3000, s6  }
.LBB2_1:
0x12: {  	[tilespmem:s3], [sflag:$0x1] =	stream.linear.gather [hbm4b:s1+s3], $0x4000, $0x38;
	[tilespmem:$0x14400] =	vst v63  }
0x13: {  	s25 =	sand.u32 $0x7800, s3;
	s26 =	sand.u32 $0x380, s3  }
0x14: {  	[tilespmem:s15], [sflag:$0x2] =	stream.linear.gather [hbm4b:s4+s3], $0x200, $0x38;
	[tilespmem:$0x14400] =	vst v63  }
0x15: {  	s25 =	sor.u32 s26, s25  }
0x16: {  	[tilespmem:s16], [sflag:$0x3] =	stream.linear.gather [hbm4b:s5+s3], $0x200, $0x38;
	[tilespmem:$0x14400] =	vst v63  }
0x17: {  	[tilespmem:s25+$0x4410] =	vst v0  }
0x18: {  	[tilespmem:s25+$0x4420] =	vst v0  }
0x19: {  	[tilespmem:s25+$0x4430] =	vst v0  }
0x1a: {  	[tilespmem:s25+$0x4440] =	vst v0  }
0x1b: {  	[tilespmem:s25+$0x4450] =	vst v0  }
0x1c: {  	[tilespmem:s25+$0x4460] =	vst v0  }
0x1d: {  	v4 =	vmov s3;
	s28 =	simm.s32 $0x0;
	s29 =	simm.s32 $0x0;
	s26 =	simm.s32 $0x1;
	[tilespmem:s25+$0x4470] =	vst v0  }
.LBB2_2:
0x1e: {  	p0 =	sne.s32 s26, $0x7F;
	[tilespmem:s25+$0x4800] =	vst v0;
	v5 =	vshll.u32 v4, $0x8;
	v4 =	vshll.u32 v4, $0x7  }
0x1f: {  	[tilespmem:s25+$0x4810] =	vst v0;
	v5 =	vand.u32 $0x7800, v5;
	v4 =	vand.u32 $0x380, v4  }
0x20: {  	[tilespmem:s25+$0x4820] =	vst v0;
	v4 =	vor.u32 v4, v5  }
0x21: {  	[tilespmem:s25+$0x4830] =	vst v0;
	v4 =	vor.u32 v1, v4  }
0x22: {  	[tilespmem:s25+$0x4840] =	vst v0  }
0x23: {  	[tilespmem:s25+$0x4850] =	vst v0  }
0x24: {  	s28 =	sadd.s32 $0x80, s28;
	s29 =	sadd.s32 $0x100, s29;
	[tilespmem:s25+$0x4860] =	vst v0  }
0x25: {  	s30 =	sand.u32 $0x7800, s29;
	s31 =	sand.u32 $0x380, s28;
	[tilespmem:s25+$0x4400] =	vst v0  }
0x26: {  	s25 =	sor.u32 s31, s30;
	[tilespmem:v4+s17+$0x0] =	vst.idx.msk $0x3ff, v0  }
0x27: {  	[tilespmem:s25+$0x4410] =	vst v0  }
0x28: {  	[tilespmem:s25+$0x4420] =	vst v0  }
.Ltmp0:
0x29: {  	[tilespmem:s25+$0x4430] =	vst v0;
	(pc) =	sbr.rel @p0 .LBB2_2-.Ltmp0, $4  }
0x2a: {  	[tilespmem:s25+$0x4440] =	vst v0  }
0x2b: {  	[tilespmem:s25+$0x4450] =	vst v0  }
0x2c: {  	[tilespmem:s25+$0x4460] =	vst v0  }
0x2d: {  	v4 =	vmov s26;
	s26 =	sadd.s32 $0x1, s26;
	[tilespmem:s25+$0x4470] =	vst v0  }
0x2e: {  	[tilespmem:s25+$0x4800] =	vst v0;
	v5 =	vshll.u32 v4, $0x8;
	v4 =	vshll.u32 v4, $0x7  }
0x2f: {  	[tilespmem:s25+$0x4810] =	vst v0;
	v5 =	vand.u32 $0x7800, v5;
	v4 =	vand.u32 $0x380, v4  }
0x30: {  	[tilespmem:s25+$0x4820] =	vst v0;
	v4 =	vor.u32 v4, v5  }
0x31: {  	[tilespmem:s25+$0x4830] =	vst v0;
	v4 =	vor.u32 v1, v4  }
0x32: {  	[tilespmem:s25+$0x4840] =	vst v0  }
0x33: {  	[tilespmem:s25+$0x4850] =	vst v0  }
0x34: {  	[tilespmem:s25+$0x4860] =	vst v0  }
0x35: {  	[tilespmem:s25+$0x4400] =	vst v0  }
0x36: {  	[tilespmem:v4+s17+$0x0] =	vst.idx.msk $0x3ff, v0  }
0x37: {  	_ =	swait.ge [sflag:s18], $0x4000  }
0x38: {  	[sflag:s18] =	ssyncset.done $0x0  }
0x39: {  	[sflag:s18] =	ssyncadd.s32 $0xFFFFC000  }
0x3a: {  	_ =	swait.ge [sflag:s19], $0x200  }
0x3b: {  	[sflag:s19] =	ssyncset.done $0x0  }
0x3c: {  	[sflag:s19] =	ssyncadd.s32 $0xFFFFFE00  }
0x3d: {  	_ =	swait.ge [sflag:s20], $0x200  }
0x3e: {  	s25 =	simm.s32 $0x0;
	s26 =	simm.s32 $0x4000;
	[sflag:s20] =	ssyncset.done $0x0  }
0x3f: {  	s28 =	simm.s32 $0x4200;
	s29 =	smov.u32 s11;
	[sflag:s20] =	ssyncadd.s32 $0xFFFFFE00  }
.LBB2_4:
0x40: {  	v4 =	vld [tilespmem:s26+$0x0];
	_ =	sdelay $0x6  }
0x41: {  	v5 =	vld [tilespmem:s29+$0x0]  }
0x42: {  	v4 =	vld.idx.msk [tilespmem:v4+s3+$0x0], $0xffff;
	_ =	sdelay $0x1  }
0x43: {  	v6 =	vmov s25  }
0x44: {  	v6 =	vshll.u32 v6, $0x8  }
0x45: {  	v6 =	vor.u32 v2, v6;
	v7 =	vshll.u32 v5, $0x3  }
0x46: {  	v6 =	vand.u32 $0x7800, v6;
	v7 =	vand.u32 $0xFFFFFC00, v7;
	v8 =	vshll.u32 v4, $0x3  }
0x47: {  	v5 =	vand.u32 $0x7F, v5;
	v7 =	vadd.s32 v6, v7;
	v8 =	vand.u32 $0xFFFFFC00, v8  }
0x48: {  	v62 =	vld [tilespmem:s28+$0x0];
	v5 =	vor.u32 v5, v7;
	v4 =	vand.u32 $0x7F, v4;
	v6 =	vadd.s32 v6, v8  }
0x49: {  	v5 =	vor.u32 v3, v5;
	v4 =	vor.u32 v4, v6  }
0x4a: {  	p0 =	sne.s32 s25, $0x70;
	v4 =	vor.u32 v3, v4  }
.Ltmp1:
0x4b: {  	_ = 	snop;
	(pc) =	sbr.rel @p0 .LBB2_4-.Ltmp1, $4  }
0x4c: {  	_ = 	snop  }
0x4d: {  	v63 =	vsub.f32 $1.000000000e+00, v62  }
0x4e: {  	s29 =	sadd.s32 $0x10, s29;
	[tilespmem:v5+s17+$0x0] =	vst.idx.msk $0xffff, v62  }
0x4f: {  	s26 =	sadd.s32 $0x10, s26;
	s28 =	sadd.s32 $0x10, s28;
	s25 =	sadd.s32 $0x10, s25;
	[tilespmem:v4+s17+$0x0] =	vst.idx.add.f32.msk $0xffff, v63  }
0x50: {  	s25 =	simm.s32 $0x0  }
0x51: {  	[hbm4b:s6+s25] =	stream.linear.scatter [tilespmem:s17], [sflag:$0x4], $0x8000, $0x38;
	[tilespmem:$0x14400] =	vst v63  }
0x52: {  	s26 =	sand.u32 $0x7800, s25;
	s28 =	sand.u32 $0x380, s25  }
0x53: {  	s26 =	sor.u32 s28, s26  }
0x54: {  	[tilespmem:s26+$0xC410] =	vst v0  }
0x55: {  	[tilespmem:s26+$0xC420] =	vst v0  }
0x56: {  	[tilespmem:s26+$0xC430] =	vst v0  }
0x57: {  	[tilespmem:s26+$0xC440] =	vst v0  }
0x58: {  	[tilespmem:s26+$0xC450] =	vst v0  }
0x59: {  	[tilespmem:s26+$0xC460] =	vst v0  }
0x5a: {  	s29 =	simm.s32 $0x0;
	s30 =	simm.s32 $0x0;
	v4 =	vmov s25;
	s28 =	simm.s32 $0x1;
	[tilespmem:s26+$0xC470] =	vst v0  }
.LBB2_6:
0x5b: {  	p0 =	sne.s32 s28, $0x7F;
	[tilespmem:s26+$0xC800] =	vst v0;
	v5 =	vshll.u32 v4, $0x8;
	v4 =	vshll.u32 v4, $0x7  }
0x5c: {  	[tilespmem:s26+$0xC810] =	vst v0;
	v5 =	vand.u32 $0x7800, v5;
	v4 =	vand.u32 $0x380, v4  }
0x5d: {  	[tilespmem:s26+$0xC820] =	vst v0;
	v4 =	vor.u32 v4, v5  }
0x5e: {  	[tilespmem:s26+$0xC830] =	vst v0;
	v4 =	vor.u32 v1, v4  }
0x5f: {  	[tilespmem:s26+$0xC840] =	vst v0  }
0x60: {  	[tilespmem:s26+$0xC850] =	vst v0  }
0x61: {  	s29 =	sadd.s32 $0x80, s29;
	s30 =	sadd.s32 $0x100, s30;
	[tilespmem:s26+$0xC860] =	vst v0  }
0x62: {  	s31 =	sand.u32 $0x7800, s30;
	s0 =	sand.u32 $0x380, s29;
	[tilespmem:s26+$0xC400] =	vst v0  }
0x63: {  	s26 =	sor.u32 s0, s31;
	[tilespmem:v4+s21+$0x0] =	vst.idx.msk $0x3ff, v0  }
0x64: {  	[tilespmem:s26+$0xC410] =	vst v0  }
0x65: {  	[tilespmem:s26+$0xC420] =	vst v0  }
.Ltmp2:
0x66: {  	[tilespmem:s26+$0xC430] =	vst v0;
	(pc) =	sbr.rel @p0 .LBB2_6-.Ltmp2, $4  }
0x67: {  	[tilespmem:s26+$0xC440] =	vst v0  }
0x68: {  	[tilespmem:s26+$0xC450] =	vst v0  }
0x69: {  	[tilespmem:s26+$0xC460] =	vst v0  }
0x6a: {  	v4 =	vmov s28;
	s28 =	sadd.s32 $0x1, s28;
	[tilespmem:s26+$0xC470] =	vst v0  }
0x6b: {  	[tilespmem:s26+$0xC800] =	vst v0;
	v5 =	vshll.u32 v4, $0x8;
	v4 =	vshll.u32 v4, $0x7  }
0x6c: {  	[tilespmem:s26+$0xC810] =	vst v0;
	v5 =	vand.u32 $0x7800, v5;
	v4 =	vand.u32 $0x380, v4  }
0x6d: {  	[tilespmem:s26+$0xC820] =	vst v0;
	v4 =	vor.u32 v4, v5  }
0x6e: {  	[tilespmem:s26+$0xC830] =	vst v0;
	v4 =	vor.u32 v1, v4  }
0x6f: {  	[tilespmem:s26+$0xC840] =	vst v0  }
0x70: {  	[tilespmem:s26+$0xC850] =	vst v0  }
0x71: {  	[tilespmem:s26+$0xC860] =	vst v0  }
0x72: {  	[tilespmem:s26+$0xC400] =	vst v0  }
0x73: {  	s26 =	simm.s32 $0x4080;
	s28 =	simm.s32 $0x4280;
	s29 =	smov.u32 s12;
	[tilespmem:v4+s21+$0x0] =	vst.idx.msk $0x3ff, v0  }
.LBB2_8:
0x74: {  	v4 =	vld [tilespmem:s26+$0x0];
	_ =	sdelay $0x6  }
0x75: {  	v5 =	vld [tilespmem:s29+$0x0]  }
0x76: {  	v4 =	vld.idx.msk [tilespmem:v4+s3+$0x0], $0xffff;
	_ =	sdelay $0x1  }
0x77: {  	v6 =	vmov s25  }
0x78: {  	v6 =	vshll.u32 v6, $0x8  }
0x79: {  	v6 =	vor.u32 v2, v6;
	v7 =	vshll.u32 v5, $0x3  }
0x7a: {  	v6 =	vand.u32 $0x7800, v6;
	v7 =	vand.u32 $0xFFFFFC00, v7;
	v8 =	vshll.u32 v4, $0x3  }
0x7b: {  	v5 =	vand.u32 $0x7F, v5;
	v7 =	vadd.s32 v6, v7;
	v8 =	vand.u32 $0xFFFFFC00, v8  }
0x7c: {  	v62 =	vld [tilespmem:s28+$0x0];
	v5 =	vor.u32 v5, v7;
	v4 =	vand.u32 $0x7F, v4;
	v6 =	vadd.s32 v6, v8  }
0x7d: {  	v5 =	vor.u32 v3, v5;
	v4 =	vor.u32 v4, v6  }
0x7e: {  	p0 =	sne.s32 s25, $0x70;
	v4 =	vor.u32 v3, v4  }
.Ltmp3:
0x7f: {  	_ = 	snop;
	(pc) =	sbr.rel @p0 .LBB2_8-.Ltmp3, $4  }
0x80: {  	_ = 	snop  }
0x81: {  	v63 =	vsub.f32 $1.000000000e+00, v62  }
0x82: {  	s26 =	sadd.s32 $0x10, s26;
	[tilespmem:v5+s21+$0x0] =	vst.idx.msk $0xffff, v62  }
0x83: {  	s28 =	sadd.s32 $0x10, s28;
	s29 =	sadd.s32 $0x10, s29;
	s25 =	sadd.s32 $0x10, s25;
	[tilespmem:v4+s21+$0x0] =	vst.idx.add.f32.msk $0xffff, v63  }
0x84: {  	s25 =	simm.s32 $0x0  }
0x85: {  	[hbm4b:s7+s25] =	stream.linear.scatter [tilespmem:s21], [sflag:$0x5], $0x8000, $0x38;
	[tilespmem:$0x14400] =	vst v63  }
0x86: {  	_ =	swait.ge [sflag:s22], $0x8000  }
0x87: {  	s26 =	simm.s32 $0x4000;
	[sflag:s22] =	ssyncset.done $0x0  }
0x88: {  	s28 =	smov.u32 s11;
	s29 =	simm.s32 $0x0;
	[sflag:s22] =	ssyncadd.s32 $0xFFFF8000  }
.LBB2_10:
0x89: {  	v4 =	vld [tilespmem:s26+$0x0];
	_ =	sdelay $0x6  }
0x8a: {  	v5 =	vld [tilespmem:s28+$0x0]  }
0x8b: {  	v4 =	vld.idx.msk [tilespmem:v4+s25+$0x0], $0xffff;
	_ =	sdelay $0x1  }
0x8c: {  	v6 =	vmov s29  }
0x8d: {  	v6 =	vshll.u32 v6, $0x8  }
0x8e: {  	v6 =	vor.u32 v2, v6;
	v7 =	vshll.u32 v5, $0x3  }
0x8f: {  	v6 =	vand.u32 $0x7800, v6;
	v7 =	vand.u32 $0xFFFFFC00, v7;
	v8 =	vshll.u32 v4, $0x3  }
0x90: {  	v5 =	vand.u32 $0x7F, v5;
	v7 =	vadd.s32 v6, v7;
	v8 =	vand.u32 $0xFFFFFC00, v8  }
0x91: {  	v5 =	vor.u32 v5, v7;
	v4 =	vand.u32 $0x7F, v4;
	v6 =	vadd.s32 v6, v8  }
0x92: {  	v5 =	vor.u32 v3, v5;
	v4 =	vor.u32 v4, v6  }
0x93: {  	p0 =	sne.s32 s29, $0x70;
	v4 =	vor.u32 v3, v4  }
.Ltmp4:
0x94: {  	_ = 	snop;
	(pc) =	sbr.rel @p0 .LBB2_10-.Ltmp4, $3  }
0x95: {  	_ =	sdelay $0x1  }
0x96: {  	[tilespmem:v5+s17+$0x0] =	vst.idx.msk $0xffff, v0  }
0x97: {  	s28 =	sadd.s32 $0x10, s28;
	s26 =	sadd.s32 $0x10, s26;
	s29 =	sadd.s32 $0x10, s29;
	[tilespmem:v4+s17+$0x0] =	vst.idx.msk $0xffff, v0  }
0x98: {  	s26 =	simm.s32 $0x4100;
	s28 =	simm.s32 $0x4300;
	s29 =	smov.u32 s13  }
.LBB2_12:
0x99: {  	v4 =	vld [tilespmem:s26+$0x0];
	_ =	sdelay $0x6  }
0x9a: {  	v5 =	vld [tilespmem:s29+$0x0]  }
0x9b: {  	v4 =	vld.idx.msk [tilespmem:v4+s3+$0x0], $0xffff;
	_ =	sdelay $0x1  }
0x9c: {  	v6 =	vmov s25  }
0x9d: {  	v6 =	vshll.u32 v6, $0x8  }
0x9e: {  	v6 =	vor.u32 v2, v6;
	v7 =	vshll.u32 v5, $0x3  }
0x9f: {  	v6 =	vand.u32 $0x7800, v6;
	v7 =	vand.u32 $0xFFFFFC00, v7;
	v8 =	vshll.u32 v4, $0x3  }
0xa0: {  	v5 =	vand.u32 $0x7F, v5;
	v7 =	vadd.s32 v6, v7;
	v8 =	vand.u32 $0xFFFFFC00, v8  }
0xa1: {  	v62 =	vld [tilespmem:s28+$0x0];
	v5 =	vor.u32 v5, v7;
	v4 =	vand.u32 $0x7F, v4;
	v6 =	vadd.s32 v6, v8  }
0xa2: {  	v5 =	vor.u32 v3, v5;
	v4 =	vor.u32 v4, v6  }
0xa3: {  	p0 =	sne.s32 s25, $0x70;
	v4 =	vor.u32 v3, v4  }
.Ltmp5:
0xa4: {  	_ = 	snop;
	(pc) =	sbr.rel @p0 .LBB2_12-.Ltmp5, $4  }
0xa5: {  	_ = 	snop  }
0xa6: {  	v63 =	vsub.f32 $1.000000000e+00, v62  }
0xa7: {  	s26 =	sadd.s32 $0x10, s26;
	[tilespmem:v5+s17+$0x0] =	vst.idx.msk $0xffff, v62  }
0xa8: {  	s28 =	sadd.s32 $0x10, s28;
	s29 =	sadd.s32 $0x10, s29;
	s25 =	sadd.s32 $0x10, s25;
	[tilespmem:v4+s17+$0x0] =	vst.idx.add.f32.msk $0xffff, v63  }
0xa9: {  	s25 =	simm.s32 $0x0  }
0xaa: {  	[hbm4b:s8+s25] =	stream.linear.scatter [tilespmem:s17], [sflag:$0x4], $0x8000, $0x38;
	[tilespmem:$0x14400] =	vst v63  }
0xab: {  	_ =	swait.ge [sflag:s23], $0x8000  }
0xac: {  	s26 =	simm.s32 $0x4080;
	[sflag:s23] =	ssyncset.done $0x0  }
0xad: {  	s28 =	smov.u32 s12;
	s29 =	simm.s32 $0x0;
	[sflag:s23] =	ssyncadd.s32 $0xFFFF8000  }
.LBB2_14:
0xae: {  	v4 =	vld [tilespmem:s26+$0x0];
	_ =	sdelay $0x6  }
0xaf: {  	v5 =	vld [tilespmem:s28+$0x0]  }
0xb0: {  	v4 =	vld.idx.msk [tilespmem:v4+s25+$0x0], $0xffff;
	_ =	sdelay $0x1  }
0xb1: {  	v6 =	vmov s29  }
0xb2: {  	v6 =	vshll.u32 v6, $0x8  }
0xb3: {  	v6 =	vor.u32 v2, v6;
	v7 =	vshll.u32 v5, $0x3  }
0xb4: {  	v6 =	vand.u32 $0x7800, v6;
	v7 =	vand.u32 $0xFFFFFC00, v7;
	v8 =	vshll.u32 v4, $0x3  }
0xb5: {  	v5 =	vand.u32 $0x7F, v5;
	v7 =	vadd.s32 v6, v7;
	v8 =	vand.u32 $0xFFFFFC00, v8  }
0xb6: {  	v5 =	vor.u32 v5, v7;
	v4 =	vand.u32 $0x7F, v4;
	v6 =	vadd.s32 v6, v8  }
0xb7: {  	v5 =	vor.u32 v3, v5;
	v4 =	vor.u32 v4, v6  }
0xb8: {  	p0 =	sne.s32 s29, $0x70;
	v4 =	vor.u32 v3, v4  }
.Ltmp6:
0xb9: {  	_ = 	snop;
	(pc) =	sbr.rel @p0 .LBB2_14-.Ltmp6, $3  }
0xba: {  	_ =	sdelay $0x1  }
0xbb: {  	[tilespmem:v5+s21+$0x0] =	vst.idx.msk $0xffff, v0  }
0xbc: {  	s26 =	sadd.s32 $0x10, s26;
	s28 =	sadd.s32 $0x10, s28;
	s29 =	sadd.s32 $0x10, s29;
	[tilespmem:v4+s21+$0x0] =	vst.idx.msk $0xffff, v0  }
0xbd: {  	s26 =	simm.s32 $0x4180;
	s28 =	simm.s32 $0x4380;
	s29 =	smov.u32 s14  }
.LBB2_16:
0xbe: {  	v4 =	vld [tilespmem:s26+$0x0];
	_ =	sdelay $0x6  }
0xbf: {  	v5 =	vld [tilespmem:s29+$0x0]  }
0xc0: {  	v4 =	vld.idx.msk [tilespmem:v4+s3+$0x0], $0xffff;
	_ =	sdelay $0x1  }
0xc1: {  	v6 =	vmov s25  }
0xc2: {  	v6 =	vshll.u32 v6, $0x8  }
0xc3: {  	v6 =	vor.u32 v2, v6;
	v7 =	vshll.u32 v5, $0x3  }
0xc4: {  	v6 =	vand.u32 $0x7800, v6;
	v7 =	vand.u32 $0xFFFFFC00, v7;
	v8 =	vshll.u32 v4, $0x3  }
0xc5: {  	v5 =	vand.u32 $0x7F, v5;
	v7 =	vadd.s32 v6, v7;
	v8 =	vand.u32 $0xFFFFFC00, v8  }
0xc6: {  	v62 =	vld [tilespmem:s28+$0x0];
	v5 =	vor.u32 v5, v7;
	v4 =	vand.u32 $0x7F, v4;
	v6 =	vadd.s32 v6, v8  }
0xc7: {  	v5 =	vor.u32 v3, v5;
	v4 =	vor.u32 v4, v6  }
0xc8: {  	p0 =	sne.s32 s25, $0x70;
	v4 =	vor.u32 v3, v4  }
.Ltmp7:
0xc9: {  	_ = 	snop;
	(pc) =	sbr.rel @p0 .LBB2_16-.Ltmp7, $4  }
0xca: {  	_ = 	snop  }
0xcb: {  	v63 =	vsub.f32 $1.000000000e+00, v62  }
0xcc: {  	s26 =	sadd.s32 $0x10, s26;
	[tilespmem:v5+s21+$0x0] =	vst.idx.msk $0xffff, v62  }
0xcd: {  	s28 =	sadd.s32 $0x10, s28;
	s29 =	sadd.s32 $0x10, s29;
	s25 =	sadd.s32 $0x10, s25;
	[tilespmem:v4+s21+$0x0] =	vst.idx.add.f32.msk $0xffff, v63  }
0xce: {  	[hbm4b:s9+s3] =	stream.linear.scatter [tilespmem:s21], [sflag:$0x5], $0x8000, $0x38;
	[tilespmem:$0x14400] =	vst v63  }
0xcf: {  	s24 =	sadd.s32 $0x1, s24  }
0xd0: {  	_ =	swait.ge [sflag:s22], $0x8000;
	p0 =	sne.s32 s24, s10  }
.Ltmp8:
0xd1: {  	[sflag:s22] =	ssyncset.done $0x0;
	(pc) =	sbr.rel @p0 .LBB2_1-.Ltmp8, $4  }
0xd2: {  	[sflag:s22] =	ssyncadd.s32 $0xFFFF8000  }
0xd3: {  	_ =	swait.ge [sflag:s23], $0x8000  }
0xd4: {  	[sflag:s23] =	ssyncset.done $0x0  }
0xd5: {  	[sflag:s23] =	ssyncadd.s32 $0xFFFF8000  }
0xd6: {  	_ =	sfence.sel $0x180000  }
0xd7: {  	[bflag:$0x0] =	sbarrier.arrive $0xFFFF  }
0xd8: {  	_ =	strace $0x90000047  }
0xd9: {  	[bflag:$0x2] =	sbarrier.arrive $0xFFFF  }
0xda: {  	p0 =	sne.s32 s2, $0x0;
	s0 =	rddreg [dreg:$0x4]  }
0xdb: {  	s0 =	sadd.s32 @!p0 $0x100000, s0  }
0xdc: {  	[sflag:s0] =	ssyncadd.tile.s32 @!p0 $0x1;
	_ =	shalt  }
.Lfunc_end2:
_tile_overlayer_lowered:
.L_overlay_start_2:
0xdd: {  	(tag) =	ssettag $0x2  }
0xde: {  	s0 =	rddreg [dreg:$0x0];
	s2 =	stileid.u32  }
0xdf: {  	s1 =	rddreg [dreg:$0x1];
	p0 =	sne.s32 s2, $0x0  }
0xe0: {  	s3 =	rddreg [dreg:$0x2];
	[bflag:$0x3] =	sbarrier.arrive $0xFFFF;
	s2 =	simm.s32 @!p0 $0x1C06  }
0xe1: {  	[timem:s3], [sflag:s2] =	dma.local @!p0 [hbm:s0], s1  }
0xe2: {  	s0 =	simm.s32 @!p0 $0x6  }
0xe3: {  	_ =	swait.ge @!p0 [sflag:s0], s1  }
0xe4: {  	s1 =	ssub.s32 @!p0 $0x0, s1;
	[sflag:s0] =	ssyncset.done @!p0 $0x0  }
0xe5: {  	[sflag:s0] =	ssyncadd.s32 @!p0 s1  }
0xe6: {  	[bflag:$0x3] =	sbarrier.arrive $0xFFFF  }
0xe7: {  	_ =	shalt  }

</sc_bundles>
